<compile_context>
chip_gen: v7x
topology: tpu7x:2x2x1
jax: 0.10.2.dev20260603
libtpu: 0.0.44.dev20260713+nightly
codegen_flags: <defaults>
</compile_context>

<pallas_src>
import functools

import jax
import jax.numpy as jnp
from jax import lax
from jax.experimental import pallas as pl
from jax.experimental.pallas import tpu as pltpu
from jax.experimental.pallas import tpu_sc as plsc

_N_FIELDS = 26
_VOCAB = 100000
_EMB = 50
_EMB_P = 56
_BATCH = 16384
_NUM_FEATURES = 13

_NC = 2
_NS = 16
_NW = _NC * _NS

_ROWS = _BATCH * _N_FIELDS
_ROWS_PER_W = _ROWS // _NW
_IDX_W = 128
_CHUNKS_PER_W = _ROWS_PER_W // _IDX_W
_NBUF = 8


def _gather_body(idx_hbm, table_hbm, out_hbm, idx_v, rows_v, *sems):
  wid = lax.axis_index("s") * _NC + lax.axis_index("c")
  idx_row0 = wid * _CHUNKS_PER_W
  out_row0 = wid * _ROWS_PER_W

  pltpu.sync_copy(idx_hbm.at[pl.ds(idx_row0, _CHUNKS_PER_W)], idx_v)

  def gather_start(j, b):
    return pltpu.async_copy(table_hbm.at[idx_v.at[j]], rows_v.at[b], sems[b])

  for b in range(_NBUF):
    gather_start(b, b)

  def pipe_body(g, _):
    for b in range(_NBUF):
      j = g * _NBUF + b
      pltpu.make_async_copy(table_hbm.at[idx_v.at[j]], rows_v.at[b],
                            sems[b]).wait()
      pltpu.sync_copy(rows_v.at[b],
                      out_hbm.at[pl.ds(out_row0 + j * _IDX_W, _IDX_W)])
      nxt = j + _NBUF
      @pl.when(nxt < _CHUNKS_PER_W)
      def _():
        gather_start(nxt, b)
    return 0

  lax.fori_loop(0, _CHUNKS_PER_W // _NBUF, pipe_body, 0)


@jax.jit
def _sc_gather(flat_idx2d, flat_tables):
  mesh = plsc.VectorSubcoreMesh(core_axis_name="c", subcore_axis_name="s")
  f = pl.kernel(
      _gather_body,
      out_type=jax.ShapeDtypeStruct((_ROWS, _EMB_P), jnp.float32),
      mesh=mesh,
      scratch_types=[
          pltpu.VMEM((_CHUNKS_PER_W, _IDX_W), jnp.int32),
          pltpu.VMEM((_NBUF, _IDX_W, _EMB_P), jnp.float32),
      ] + [pltpu.SemaphoreType.DMA] * _NBUF,
      compiler_params=pltpu.CompilerParams(use_tc_tiling_on_sc=False),
  )
  return f(flat_idx2d, flat_tables)


def _mlp_body(emb_ref, xnum_ref, w1e_ref, w1n_ref, b1_ref, w2_ref, b2_ref,
              w3_ref, b3_ref, out_ref):
  h1 = jnp.dot(emb_ref[...], w1e_ref[...], preferred_element_type=jnp.float32)
  h1 += jnp.dot(xnum_ref[...], w1n_ref[...],
                preferred_element_type=jnp.float32)
  h1 = jnp.maximum(h1 + b1_ref[...], 0.0)
  h2 = jnp.maximum(
      jnp.dot(h1, w2_ref[...], preferred_element_type=jnp.float32)
      + b2_ref[...], 0.0)
  out_ref[...] = (jnp.dot(h2, w3_ref[...], preferred_element_type=jnp.float32)
                  + b3_ref[...])


@functools.partial(jax.jit, static_argnames=("bs",))
def _tc_mlp(emb, x_num, w1e, w1n, b1, w2, b2, w3, b3, bs=1024):
  nblk = _BATCH // bs
  full = lambda shape: pl.BlockSpec(shape, lambda i: (0,) * len(shape))
  return pl.pallas_call(
      _mlp_body,
      grid=(nblk,),
      in_specs=[
          pl.BlockSpec((bs, _N_FIELDS * _EMB_P), lambda i: (i, 0)),
          pl.BlockSpec((bs, _NUM_FEATURES), lambda i: (i, 0)),
          full((_N_FIELDS * _EMB_P, 128)),
          full((_NUM_FEATURES, 128)),
          full((1, 128)),
          full((128, 64)),
          full((1, 64)),
          full((64, 1)),
          full((1, 1)),
      ],
      out_specs=pl.BlockSpec((bs, 1), lambda i: (i, 0)),
      out_shape=jax.ShapeDtypeStruct((_BATCH, 1), jnp.float32),
  )(emb, x_num, w1e, w1n, b1, w2, b2, w3, b3)


def kernel(x_cat, x_num, tables, W1, b1, W2, b2, W3, b3):
  flat56 = jnp.pad(tables.reshape(_N_FIELDS * _VOCAB, _EMB),
                   ((0, 0), (0, _EMB_P - _EMB)))
  flat_idx = (x_cat + jnp.arange(_N_FIELDS, dtype=jnp.int32) * _VOCAB)
  flat_idx2d = flat_idx.reshape(_ROWS // _IDX_W, _IDX_W)
  emb = _sc_gather(flat_idx2d, flat56).reshape(_BATCH, _N_FIELDS * _EMB_P)
  w1e = jnp.pad(W1[:_N_FIELDS * _EMB].reshape(_N_FIELDS, _EMB, 128),
                ((0, 0), (0, _EMB_P - _EMB), (0, 0))).reshape(
                    _N_FIELDS * _EMB_P, 128)
  w1n = W1[_N_FIELDS * _EMB:]
  return _tc_mlp(emb, x_num, w1e, w1n, b1.reshape(1, -1), W2,
                 b2.reshape(1, -1), W3, b3.reshape(1, 1))

# --- scband reference (transcript-rebuilt; emitter-appended) ---
"""Pipeline reference for scband-car-price-predictor-20117626814494 (READ-ONLY COPY).

The authoritative reference and input builder live on the scoring server;
editing this copy changes nothing except your own understanding.
"""

import jax, jax.numpy as jnp
import numpy as np

N_FIELDS = 26
VOCAB = 100000
EMB_DIM = 50
NUM_FEATURES = 13
BATCH = 16384
TOTAL_EMB = N_FIELDS * EMB_DIM  # 1300
IN_DIM = TOTAL_EMB + NUM_FEATURES  # 1313


def setup_inputs(seed: int = 0) -> dict:
    key = jax.random.key(seed)
    ks = jax.random.split(key, 10)
    x_cat = jax.random.randint(ks[0], (BATCH, N_FIELDS), 0, VOCAB, dtype=jnp.int32)
    x_num = jax.random.normal(ks[1], (BATCH, NUM_FEATURES), dtype=jnp.float32)
    # all 26 tables have identical shape -> stack into one array [26, VOCAB, 50]
    tables = jax.random.normal(ks[2], (N_FIELDS, VOCAB, EMB_DIM), dtype=jnp.float32) * 0.02
    W1 = jax.random.normal(ks[3], (IN_DIM, 128), dtype=jnp.float32) * (1.0 / np.sqrt(IN_DIM))
    b1 = jnp.zeros((128,), dtype=jnp.float32)
    W2 = jax.random.normal(ks[4], (128, 64), dtype=jnp.float32) * (1.0 / np.sqrt(128))
    b2 = jnp.zeros((64,), dtype=jnp.float32)
    W3 = jax.random.normal(ks[5], (64, 1), dtype=jnp.float32) * (1.0 / np.sqrt(64))
    b3 = jnp.zeros((1,), dtype=jnp.float32)
    return {"x_cat": x_cat, "x_num": x_num, "tables": tables,
            "W1": W1, "b1": b1, "W2": W2, "b2": b2, "W3": W3, "b3": b3}


def reference(x_cat, x_num, tables, W1, b1, W2, b2, W3, b3):
    # per-field embedding lookups (gather), matching nn.Embedding per ModuleList entry
    embs = [tables[i][x_cat[:, i]] for i in range(N_FIELDS)]
    x = jnp.concatenate(embs + [x_num], axis=1)
    # MLP head; Dropout layers are identity at inference
    h = jax.nn.relu(x @ W1 + b1)
    h = jax.nn.relu(h @ W2 + b2)
    out = h @ W3 + b3
    return out

if __name__ == "__main__":
    import jax
    _d = setup_inputs()
    print(jax.jit(kernel)(*tuple(_d.values())))

</pallas_src>

<mosaic_0001>
#map = affine_map<(d0, d1) -> (0, 0)>
module attributes {stable_mosaic.version = 14 : i64} {
  func.func @_gather_body(%arg0: i32, %arg1: i32, %arg2: memref<3328x128xi32, #tpu.memory_space<hbm>>, %arg3: memref<2600000x56xf32, #tpu.memory_space<hbm>>, %arg4: memref<425984x56xf32, #tpu.memory_space<hbm>>, %arg5: memref<104x128xi32, #tpu.memory_space<vmem>>, %arg6: memref<8x128x56xf32, #tpu.memory_space<vmem>>, %arg7: memref<!tpu.dma_semaphore, #tpu.memory_space<semaphore_mem>>, %arg8: memref<!tpu.dma_semaphore, #tpu.memory_space<semaphore_mem>>, %arg9: memref<!tpu.dma_semaphore, #tpu.memory_space<semaphore_mem>>, %arg10: memref<!tpu.dma_semaphore, #tpu.memory_space<semaphore_mem>>, %arg11: memref<!tpu.dma_semaphore, #tpu.memory_space<semaphore_mem>>, %arg12: memref<!tpu.dma_semaphore, #tpu.memory_space<semaphore_mem>>, %arg13: memref<!tpu.dma_semaphore, #tpu.memory_space<semaphore_mem>>, %arg14: memref<!tpu.dma_semaphore, #tpu.memory_space<semaphore_mem>>) attributes {dimension_semantics = [#tpu.dimension_semantics<core_parallel>, #tpu.dimension_semantics<subcore_parallel>], iteration_bounds = array<i64: 2, 16>, scalar_prefetch = 0 : i64, scratch_operands = 10 : i64, tpu.core_type = #tpu.core_type<sc_vector_subcore>, window_params = [{transform_indices = #map}, {transform_indices = #map}, {transform_indices = #map}]} {
    %mul3A = arith.constant 2 : i32
    %mul3A_0 = arith.muli %arg1, %mul3A : i32
    %add3A = arith.addi %mul3A_0, %arg0 : i32
    %mul3A_1 = arith.constant 104 : i32
    %mul3A_2 = arith.muli %add3A, %mul3A_1 : i32
    %mul3A_3 = arith.constant 13312 : i32
    %mul3A_4 = arith.muli %add3A, %mul3A_3 : i32
    "tpu.region"() ({
      %run_scoped3A = tpu.sem_alloc : memref<!tpu.dma_semaphore, #tpu.memory_space<semaphore_mem>>
      %dma_start3A_106 = arith.constant 0 : i32
      %dma_start3A_107 = tpu.memref_slice %arg2[%mul3A_2, %dma_start3A_106] : memref<3328x128xi32, #tpu.memory_space<hbm>> -> memref<104x128xi32, #tpu.memory_space<hbm>>
      %dma_start3A_108 = arith.constant 0 : i32
      %dma_start3A_109 = tpu.memref_slice %arg2[%mul3A_2, %dma_start3A_108] : memref<3328x128xi32, #tpu.memory_space<hbm>> -> memref<104x128xi32, #tpu.memory_space<hbm>>
      tpu.enqueue_dma source(%dma_start3A_109 : memref<104x128xi32, #tpu.memory_space<hbm>>) target(%arg5 : memref<104x128xi32, #tpu.memory_space<vmem>>) target_semaphore(%run_scoped3A : memref<!tpu.dma_semaphore, #tpu.memory_space<semaphore_mem>>)
      %dma_wait3A = arith.constant 0 : i32
      %dma_wait3A_110 = tpu.memref_slice %arg2[%mul3A_2, %dma_wait3A] : memref<3328x128xi32, #tpu.memory_space<hbm>> -> memref<104x128xi32, #tpu.memory_space<hbm>>
      %dma_wait3A_111 = arith.constant 0 : i32
      %dma_wait3A_112 = tpu.memref_slice %arg2[%mul3A_2, %dma_wait3A_111] : memref<3328x128xi32, #tpu.memory_space<hbm>> -> memref<104x128xi32, #tpu.memory_space<hbm>>
      tpu.wait_dma2 semaphore(%run_scoped3A : memref<!tpu.dma_semaphore, #tpu.memory_space<semaphore_mem>>) src(%dma_wait3A_112 : memref<104x128xi32, #tpu.memory_space<hbm>>) dst(%arg5 : memref<104x128xi32, #tpu.memory_space<vmem>>)
      tpu.yield
    }) : () -> ()
    %dma_start3A = arith.constant 0 : i32
    %dma_start3A_5 = arith.constant 0 : i32
    %dma_start3A_6 = arith.constant 0 : i32
    %dma_start3A_7 = arith.constant 0 : i32
    %dma_start3A_8 = tpu.memref_slice %arg6[%dma_start3A_5, %dma_start3A_6, %dma_start3A_7] : memref<8x128x56xf32, #tpu.memory_space<vmem>> -> memref<1x128x56xf32, #tpu.memory_space<vmem>>
    %dma_start3A_9 = tpu.memref_squeeze %dma_start3A_8 : memref<1x128x56xf32, #tpu.memory_space<vmem>> -> memref<128x56xf32, #tpu.memory_space<vmem>>
    %dma_start3A_10 = arith.constant 0 : i32
    %dma_start3A_11 = tpu.memref_slice %arg5[%dma_start3A, %dma_start3A_10] : memref<104x128xi32, #tpu.memory_space<vmem>> -> memref<1x128xi32, #tpu.memory_space<vmem>>
    %dma_start3A_12 = tpu.memref_squeeze %dma_start3A_11 : memref<1x128xi32, #tpu.memory_space<vmem>> -> memref<128xi32, #tpu.memory_space<vmem>>
    %dma_start3A_13 = arith.constant 0 : i32
    %dma_start3A_14 = arith.constant 0 : i32
    %dma_start3A_15 = tpu.memref_slice %arg3[%dma_start3A_13, %dma_start3A_14] : memref<2600000x56xf32, #tpu.memory_space<hbm>> -> memref<2600000x56xf32, #tpu.memory_space<hbm>>
    tpu.enqueue_indirect_dma source(%dma_start3A_15 : memref<2600000x56xf32, #tpu.memory_space<hbm>>) target(%dma_start3A_9 : memref<128x56xf32, #tpu.memory_space<vmem>>) offsets(%dma_start3A_12 : memref<128xi32, #tpu.memory_space<vmem>>) semaphore(%arg7 : memref<!tpu.dma_semaphore, #tpu.memory_space<semaphore_mem>>)
    %dma_start3A_16 = arith.constant 1 : i32
    %dma_start3A_17 = arith.constant 1 : i32
    %dma_start3A_18 = arith.constant 0 : i32
    %dma_start3A_19 = arith.constant 0 : i32
    %dma_start3A_20 = tpu.memref_slice %arg6[%dma_start3A_17, %dma_start3A_18, %dma_start3A_19] : memref<8x128x56xf32, #tpu.memory_space<vmem>> -> memref<1x128x56xf32, #tpu.memory_space<vmem>>
    %dma_start3A_21 = tpu.memref_squeeze %dma_start3A_20 : memref<1x128x56xf32, #tpu.memory_space<vmem>> -> memref<128x56xf32, #tpu.memory_space<vmem>>
    %dma_start3A_22 = arith.constant 0 : i32
    %dma_start3A_23 = tpu.memref_slice %arg5[%dma_start3A_16, %dma_start3A_22] : memref<104x128xi32, #tpu.memory_space<vmem>> -> memref<1x128xi32, #tpu.memory_space<vmem>>
    %dma_start3A_24 = tpu.memref_squeeze %dma_start3A_23 : memref<1x128xi32, #tpu.memory_space<vmem>> -> memref<128xi32, #tpu.memory_space<vmem>>
    %dma_start3A_25 = arith.constant 0 : i32
    %dma_start3A_26 = arith.constant 0 : i32
    %dma_start3A_27 = tpu.memref_slice %arg3[%dma_start3A_25, %dma_start3A_26] : memref<2600000x56xf32, #tpu.memory_space<hbm>> -> memref<2600000x56xf32, #tpu.memory_space<hbm>>
    tpu.enqueue_indirect_dma source(%dma_start3A_27 : memref<2600000x56xf32, #tpu.memory_space<hbm>>) target(%dma_start3A_21 : memref<128x56xf32, #tpu.memory_space<vmem>>) offsets(%dma_start3A_24 : memref<128xi32, #tpu.memory_space<vmem>>) semaphore(%arg8 : memref<!tpu.dma_semaphore, #tpu.memory_space<semaphore_mem>>)
    %dma_start3A_28 = arith.constant 2 : i32
    %dma_start3A_29 = arith.constant 2 : i32
    %dma_start3A_30 = arith.constant 0 : i32
    %dma_start3A_31 = arith.constant 0 : i32
    %dma_start3A_32 = tpu.memref_slice %arg6[%dma_start3A_29, %dma_start3A_30, %dma_start3A_31] : memref<8x128x56xf32, #tpu.memory_space<vmem>> -> memref<1x128x56xf32, #tpu.memory_space<vmem>>
    %dma_start3A_33 = tpu.memref_squeeze %dma_start3A_32 : memref<1x128x56xf32, #tpu.memory_space<vmem>> -> memref<128x56xf32, #tpu.memory_space<vmem>>
    %dma_start3A_34 = arith.constant 0 : i32
    %dma_start3A_35 = tpu.memref_slice %arg5[%dma_start3A_28, %dma_start3A_34] : memref<104x128xi32, #tpu.memory_space<vmem>> -> memref<1x128xi32, #tpu.memory_space<vmem>>
    %dma_start3A_36 = tpu.memref_squeeze %dma_start3A_35 : memref<1x128xi32, #tpu.memory_space<vmem>> -> memref<128xi32, #tpu.memory_space<vmem>>
    %dma_start3A_37 = arith.constant 0 : i32
    %dma_start3A_38 = arith.constant 0 : i32
    %dma_start3A_39 = tpu.memref_slice %arg3[%dma_start3A_37, %dma_start3A_38] : memref<2600000x56xf32, #tpu.memory_space<hbm>> -> memref<2600000x56xf32, #tpu.memory_space<hbm>>
    tpu.enqueue_indirect_dma source(%dma_start3A_39 : memref<2600000x56xf32, #tpu.memory_space<hbm>>) target(%dma_start3A_33 : memref<128x56xf32, #tpu.memory_space<vmem>>) offsets(%dma_start3A_36 : memref<128xi32, #tpu.memory_space<vmem>>) semaphore(%arg9 : memref<!tpu.dma_semaphore, #tpu.memory_space<semaphore_mem>>)
    %dma_start3A_40 = arith.constant 3 : i32
    %dma_start3A_41 = arith.constant 3 : i32
    %dma_start3A_42 = arith.constant 0 : i32
    %dma_start3A_43 = arith.constant 0 : i32
    %dma_start3A_44 = tpu.memref_slice %arg6[%dma_start3A_41, %dma_start3A_42, %dma_start3A_43] : memref<8x128x56xf32, #tpu.memory_space<vmem>> -> memref<1x128x56xf32, #tpu.memory_space<vmem>>
    %dma_start3A_45 = tpu.memref_squeeze %dma_start3A_44 : memref<1x128x56xf32, #tpu.memory_space<vmem>> -> memref<128x56xf32, #tpu.memory_space<vmem>>
    %dma_start3A_46 = arith.constant 0 : i32
    %dma_start3A_47 = tpu.memref_slice %arg5[%dma_start3A_40, %dma_start3A_46] : memref<104x128xi32, #tpu.memory_space<vmem>> -> memref<1x128xi32, #tpu.memory_space<vmem>>
    %dma_start3A_48 = tpu.memref_squeeze %dma_start3A_47 : memref<1x128xi32, #tpu.memory_space<vmem>> -> memref<128xi32, #tpu.memory_space<vmem>>
    %dma_start3A_49 = arith.constant 0 : i32
    %dma_start3A_50 = arith.constant 0 : i32
    %dma_start3A_51 = tpu.memref_slice %arg3[%dma_start3A_49, %dma_start3A_50] : memref<2600000x56xf32, #tpu.memory_space<hbm>> -> memref<2600000x56xf32, #tpu.memory_space<hbm>>
    tpu.enqueue_indirect_dma source(%dma_start3A_51 : memref<2600000x56xf32, #tpu.memory_space<hbm>>) target(%dma_start3A_45 : memref<128x56xf32, #tpu.memory_space<vmem>>) offsets(%dma_start3A_48 : memref<128xi32, #tpu.memory_space<vmem>>) semaphore(%arg10 : memref<!tpu.dma_semaphore, #tpu.memory_space<semaphore_mem>>)
    %dma_start3A_52 = arith.constant 4 : i32
    %dma_start3A_53 = arith.constant 4 : i32
    %dma_start3A_54 = arith.constant 0 : i32
    %dma_start3A_55 = arith.constant 0 : i32
    %dma_start3A_56 = tpu.memref_slice %arg6[%dma_start3A_53, %dma_start3A_54, %dma_start3A_55] : memref<8x128x56xf32, #tpu.memory_space<vmem>> -> memref<1x128x56xf32, #tpu.memory_space<vmem>>
    %dma_start3A_57 = tpu.memref_squeeze %dma_start3A_56 : memref<1x128x56xf32, #tpu.memory_space<vmem>> -> memref<128x56xf32, #tpu.memory_space<vmem>>
    %dma_start3A_58 = arith.constant 0 : i32
    %dma_start3A_59 = tpu.memref_slice %arg5[%dma_start3A_52, %dma_start3A_58] : memref<104x128xi32, #tpu.memory_space<vmem>> -> memref<1x128xi32, #tpu.memory_space<vmem>>
    %dma_start3A_60 = tpu.memref_squeeze %dma_start3A_59 : memref<1x128xi32, #tpu.memory_space<vmem>> -> memref<128xi32, #tpu.memory_space<vmem>>
    %dma_start3A_61 = arith.constant 0 : i32
    %dma_start3A_62 = arith.constant 0 : i32
    %dma_start3A_63 = tpu.memref_slice %arg3[%dma_start3A_61, %dma_start3A_62] : memref<2600000x56xf32, #tpu.memory_space<hbm>> -> memref<2600000x56xf32, #tpu.memory_space<hbm>>
    tpu.enqueue_indirect_dma source(%dma_start3A_63 : memref<2600000x56xf32, #tpu.memory_space<hbm>>) target(%dma_start3A_57 : memref<128x56xf32, #tpu.memory_space<vmem>>) offsets(%dma_start3A_60 : memref<128xi32, #tpu.memory_space<vmem>>) semaphore(%arg11 : memref<!tpu.dma_semaphore, #tpu.memory_space<semaphore_mem>>)
    %dma_start3A_64 = arith.constant 5 : i32
    %dma_start3A_65 = arith.constant 5 : i32
    %dma_start3A_66 = arith.constant 0 : i32
    %dma_start3A_67 = arith.constant 0 : i32
    %dma_start3A_68 = tpu.memref_slice %arg6[%dma_start3A_65, %dma_start3A_66, %dma_start3A_67] : memref<8x128x56xf32, #tpu.memory_space<vmem>> -> memref<1x128x56xf32, #tpu.memory_space<vmem>>
    %dma_start3A_69 = tpu.memref_squeeze %dma_start3A_68 : memref<1x128x56xf32, #tpu.memory_space<vmem>> -> memref<128x56xf32, #tpu.memory_space<vmem>>
    %dma_start3A_70 = arith.constant 0 : i32
    %dma_start3A_71 = tpu.memref_slice %arg5[%dma_start3A_64, %dma_start3A_70] : memref<104x128xi32, #tpu.memory_space<vmem>> -> memref<1x128xi32, #tpu.memory_space<vmem>>
    %dma_start3A_72 = tpu.memref_squeeze %dma_start3A_71 : memref<1x128xi32, #tpu.memory_space<vmem>> -> memref<128xi32, #tpu.memory_space<vmem>>
    %dma_start3A_73 = arith.constant 0 : i32
    %dma_start3A_74 = arith.constant 0 : i32
    %dma_start3A_75 = tpu.memref_slice %arg3[%dma_start3A_73, %dma_start3A_74] : memref<2600000x56xf32, #tpu.memory_space<hbm>> -> memref<2600000x56xf32, #tpu.memory_space<hbm>>
    tpu.enqueue_indirect_dma source(%dma_start3A_75 : memref<2600000x56xf32, #tpu.memory_space<hbm>>) target(%dma_start3A_69 : memref<128x56xf32, #tpu.memory_space<vmem>>) offsets(%dma_start3A_72 : memref<128xi32, #tpu.memory_space<vmem>>) semaphore(%arg12 : memref<!tpu.dma_semaphore, #tpu.memory_space<semaphore_mem>>)
    %dma_start3A_76 = arith.constant 6 : i32
    %dma_start3A_77 = arith.constant 6 : i32
    %dma_start3A_78 = arith.constant 0 : i32
    %dma_start3A_79 = arith.constant 0 : i32
    %dma_start3A_80 = tpu.memref_slice %arg6[%dma_start3A_77, %dma_start3A_78, %dma_start3A_79] : memref<8x128x56xf32, #tpu.memory_space<vmem>> -> memref<1x128x56xf32, #tpu.memory_space<vmem>>
    %dma_start3A_81 = tpu.memref_squeeze %dma_start3A_80 : memref<1x128x56xf32, #tpu.memory_space<vmem>> -> memref<128x56xf32, #tpu.memory_space<vmem>>
    %dma_start3A_82 = arith.constant 0 : i32
    %dma_start3A_83 = tpu.memref_slice %arg5[%dma_start3A_76, %dma_start3A_82] : memref<104x128xi32, #tpu.memory_space<vmem>> -> memref<1x128xi32, #tpu.memory_space<vmem>>
    %dma_start3A_84 = tpu.memref_squeeze %dma_start3A_83 : memref<1x128xi32, #tpu.memory_space<vmem>> -> memref<128xi32, #tpu.memory_space<vmem>>
    %dma_start3A_85 = arith.constant 0 : i32
    %dma_start3A_86 = arith.constant 0 : i32
    %dma_start3A_87 = tpu.memref_slice %arg3[%dma_start3A_85, %dma_start3A_86] : memref<2600000x56xf32, #tpu.memory_space<hbm>> -> memref<2600000x56xf32, #tpu.memory_space<hbm>>
    tpu.enqueue_indirect_dma source(%dma_start3A_87 : memref<2600000x56xf32, #tpu.memory_space<hbm>>) target(%dma_start3A_81 : memref<128x56xf32, #tpu.memory_space<vmem>>) offsets(%dma_start3A_84 : memref<128xi32, #tpu.memory_space<vmem>>) semaphore(%arg13 : memref<!tpu.dma_semaphore, #tpu.memory_space<semaphore_mem>>)
    %dma_start3A_88 = arith.constant 7 : i32
    %dma_start3A_89 = arith.constant 7 : i32
    %dma_start3A_90 = arith.constant 0 : i32
    %dma_start3A_91 = arith.constant 0 : i32
    %dma_start3A_92 = tpu.memref_slice %arg6[%dma_start3A_89, %dma_start3A_90, %dma_start3A_91] : memref<8x128x56xf32, #tpu.memory_space<vmem>> -> memref<1x128x56xf32, #tpu.memory_space<vmem>>
    %dma_start3A_93 = tpu.memref_squeeze %dma_start3A_92 : memref<1x128x56xf32, #tpu.memory_space<vmem>> -> memref<128x56xf32, #tpu.memory_space<vmem>>
    %dma_start3A_94 = arith.constant 0 : i32
    %dma_start3A_95 = tpu.memref_slice %arg5[%dma_start3A_88, %dma_start3A_94] : memref<104x128xi32, #tpu.memory_space<vmem>> -> memref<1x128xi32, #tpu.memory_space<vmem>>
    %dma_start3A_96 = tpu.memref_squeeze %dma_start3A_95 : memref<1x128xi32, #tpu.memory_space<vmem>> -> memref<128xi32, #tpu.memory_space<vmem>>
    %dma_start3A_97 = arith.constant 0 : i32
    %dma_start3A_98 = arith.constant 0 : i32
    %dma_start3A_99 = tpu.memref_slice %arg3[%dma_start3A_97, %dma_start3A_98] : memref<2600000x56xf32, #tpu.memory_space<hbm>> -> memref<2600000x56xf32, #tpu.memory_space<hbm>>
    tpu.enqueue_indirect_dma source(%dma_start3A_99 : memref<2600000x56xf32, #tpu.memory_space<hbm>>) target(%dma_start3A_93 : memref<128x56xf32, #tpu.memory_space<vmem>>) offsets(%dma_start3A_96 : memref<128xi32, #tpu.memory_space<vmem>>) semaphore(%arg14 : memref<!tpu.dma_semaphore, #tpu.memory_space<semaphore_mem>>)
    %scan3A = arith.constant 0 : i32
    %scan3A_100 = arith.constant 0 : i32
    %scan3A_101 = arith.constant 13 : i32
    %scan3A_102 = arith.addi %scan3A_100, %scan3A_101 : i32
    %scan3A_103 = arith.constant 1 : i32
    %scan3A_104 = scf.for %scan3A_106 = %scan3A_100 to %scan3A_102 step %scan3A_103 iter_args(%scan3A_107 = %scan3A) -> (i32)  : i32 {
      %mul3A_108 = arith.constant 8 : i32
      %mul3A_109 = arith.muli %scan3A_106, %mul3A_108 : i32
      %add3A_110 = arith.constant 0 : i32
      %add3A_111 = arith.addi %mul3A_109, %add3A_110 : i32
      %dma_wait3A = arith.constant 0 : i32
      %dma_wait3A_112 = arith.constant 0 : i32
      %dma_wait3A_113 = arith.constant 0 : i32
      %dma_wait3A_114 = tpu.memref_slice %arg6[%dma_wait3A, %dma_wait3A_112, %dma_wait3A_113] : memref<8x128x56xf32, #tpu.memory_space<vmem>> -> memref<1x128x56xf32, #tpu.memory_space<vmem>>
      %dma_wait3A_115 = tpu.memref_squeeze %dma_wait3A_114 : memref<1x128x56xf32, #tpu.memory_space<vmem>> -> memref<128x56xf32, #tpu.memory_space<vmem>>
      %dma_wait3A_116 = arith.constant 0 : i32
      %dma_wait3A_117 = tpu.memref_slice %arg5[%add3A_111, %dma_wait3A_116] : memref<104x128xi32, #tpu.memory_space<vmem>> -> memref<1x128xi32, #tpu.memory_space<vmem>>
      %dma_wait3A_118 = tpu.memref_squeeze %dma_wait3A_117 : memref<1x128xi32, #tpu.memory_space<vmem>> -> memref<128xi32, #tpu.memory_space<vmem>>
      %dma_wait3A_119 = arith.constant 0 : i32
      %dma_wait3A_120 = arith.constant 0 : i32
      %dma_wait3A_121 = tpu.memref_slice %arg3[%dma_wait3A_119, %dma_wait3A_120] : memref<2600000x56xf32, #tpu.memory_space<hbm>> -> memref<2600000x56xf32, #tpu.memory_space<hbm>>
      tpu.wait_indirect_dma semaphore(%arg7 : memref<!tpu.dma_semaphore, #tpu.memory_space<semaphore_mem>>) src(%dma_wait3A_121 : memref<2600000x56xf32, #tpu.memory_space<hbm>>) dst(%dma_wait3A_115 : memref<128x56xf32, #tpu.memory_space<vmem>>)
      %mul3A_122 = arith.constant 128 : i32
      %mul3A_123 = arith.muli %add3A_111, %mul3A_122 : i32
      %add3A_124 = arith.addi %mul3A_4, %mul3A_123 : i32
      %run_scoped3A = arith.constant 0 : i32
      "tpu.region"() ({
        %run_scoped3A_312 = tpu.sem_alloc : memref<!tpu.dma_semaphore, #tpu.memory_space<semaphore_mem>>
        %dma_start3A_313 = arith.constant 0 : i32
        %dma_start3A_314 = arith.constant 0 : i32
        %dma_start3A_315 = tpu.memref_slice %arg6[%run_scoped3A, %dma_start3A_313, %dma_start3A_314] : memref<8x128x56xf32, #tpu.memory_space<vmem>> -> memref<1x128x56xf32, #tpu.memory_space<vmem>>
        %dma_start3A_316 = tpu.memref_squeeze %dma_start3A_315 : memref<1x128x56xf32, #tpu.memory_space<vmem>> -> memref<128x56xf32, #tpu.memory_space<vmem>>
        %dma_start3A_317 = arith.constant 0 : i32
        %dma_start3A_318 = tpu.memref_slice %arg4[%add3A_124, %dma_start3A_317] : memref<425984x56xf32, #tpu.memory_space<hbm>> -> memref<128x56xf32, #tpu.memory_space<hbm>>
        %dma_start3A_319 = arith.constant 0 : i32
        %dma_start3A_320 = tpu.memref_slice %arg4[%add3A_124, %dma_start3A_319] : memref<425984x56xf32, #tpu.memory_space<hbm>> -> memref<128x56xf32, #tpu.memory_space<hbm>>
        %dma_start3A_321 = arith.constant 0 : i32
        %dma_start3A_322 = arith.constant 0 : i32
        %dma_start3A_323 = tpu.memref_slice %arg6[%run_scoped3A, %dma_start3A_321, %dma_start3A_322] : memref<8x128x56xf32, #tpu.memory_space<vmem>> -> memref<1x128x56xf32, #tpu.memory_space<vmem>>
        %dma_start3A_324 = tpu.memref_squeeze %dma_start3A_323 : memref<1x128x56xf32, #tpu.memory_space<vmem>> -> memref<128x56xf32, #tpu.memory_space<vmem>>
        tpu.enqueue_dma source(%dma_start3A_324 : memref<128x56xf32, #tpu.memory_space<vmem>>) target(%dma_start3A_320 : memref<128x56xf32, #tpu.memory_space<hbm>>) target_semaphore(%run_scoped3A_312 : memref<!tpu.dma_semaphore, #tpu.memory_space<semaphore_mem>>)
        %dma_wait3A_325 = arith.constant 0 : i32
        %dma_wait3A_326 = arith.constant 0 : i32
        %dma_wait3A_327 = tpu.memref_slice %arg6[%run_scoped3A, %dma_wait3A_325, %dma_wait3A_326] : memref<8x128x56xf32, #tpu.memory_space<vmem>> -> memref<1x128x56xf32, #tpu.memory_space<vmem>>
        %dma_wait3A_328 = tpu.memref_squeeze %dma_wait3A_327 : memref<1x128x56xf32, #tpu.memory_space<vmem>> -> memref<128x56xf32, #tpu.memory_space<vmem>>
        %dma_wait3A_329 = arith.constant 0 : i32
        %dma_wait3A_330 = tpu.memref_slice %arg4[%add3A_124, %dma_wait3A_329] : memref<425984x56xf32, #tpu.memory_space<hbm>> -> memref<128x56xf32, #tpu.memory_space<hbm>>
        %dma_wait3A_331 = arith.constant 0 : i32
        %dma_wait3A_332 = tpu.memref_slice %arg4[%add3A_124, %dma_wait3A_331] : memref<425984x56xf32, #tpu.memory_space<hbm>> -> memref<128x56xf32, #tpu.memory_space<hbm>>
        %dma_wait3A_333 = arith.constant 0 : i32
        %dma_wait3A_334 = arith.constant 0 : i32
        %dma_wait3A_335 = tpu.memref_slice %arg6[%run_scoped3A, %dma_wait3A_333, %dma_wait3A_334] : memref<8x128x56xf32, #tpu.memory_space<vmem>> -> memref<1x128x56xf32, #tpu.memory_space<vmem>>
        %dma_wait3A_336 = tpu.memref_squeeze %dma_wait3A_335 : memref<1x128x56xf32, #tpu.memory_space<vmem>> -> memref<128x56xf32, #tpu.memory_space<vmem>>
        tpu.wait_dma2 semaphore(%run_scoped3A_312 : memref<!tpu.dma_semaphore, #tpu.memory_space<semaphore_mem>>) src(%dma_wait3A_336 : memref<128x56xf32, #tpu.memory_space<vmem>>) dst(%dma_wait3A_332 : memref<128x56xf32, #tpu.memory_space<hbm>>)
        tpu.yield
      }) : () -> ()
      %add3A_125 = arith.constant 8 : i32
      %add3A_126 = arith.addi %add3A_111, %add3A_125 : i32
      %lt3A = arith.constant 104 : i32
      %lt3A_127 = arith.cmpi slt, %add3A_126, %lt3A : i32
      %convert_element_type3A = arith.extui %lt3A_127 : i1 to i32
      %cond3A = arith.constant 0 : i32
      %cond3A_128 = arith.cmpi ne, %convert_element_type3A, %cond3A : i32
      scf.if %cond3A_128 {
        %dma_start3A_312 = arith.constant 0 : i32
        %dma_start3A_313 = arith.constant 0 : i32
        %dma_start3A_314 = arith.constant 0 : i32
        %dma_start3A_315 = tpu.memref_slice %arg6[%dma_start3A_312, %dma_start3A_313, %dma_start3A_314] : memref<8x128x56xf32, #tpu.memory_space<vmem>> -> memref<1x128x56xf32, #tpu.memory_space<vmem>>
        %dma_start3A_316 = tpu.memref_squeeze %dma_start3A_315 : memref<1x128x56xf32, #tpu.memory_space<vmem>> -> memref<128x56xf32, #tpu.memory_space<vmem>>
        %dma_start3A_317 = arith.constant 0 : i32
        %dma_start3A_318 = tpu.memref_slice %arg5[%add3A_126, %dma_start3A_317] : memref<104x128xi32, #tpu.memory_space<vmem>> -> memref<1x128xi32, #tpu.memory_space<vmem>>
        %dma_start3A_319 = tpu.memref_squeeze %dma_start3A_318 : memref<1x128xi32, #tpu.memory_space<vmem>> -> memref<128xi32, #tpu.memory_space<vmem>>
        %dma_start3A_320 = arith.constant 0 : i32
        %dma_start3A_321 = arith.constant 0 : i32
        %dma_start3A_322 = tpu.memref_slice %arg3[%dma_start3A_320, %dma_start3A_321] : memref<2600000x56xf32, #tpu.memory_space<hbm>> -> memref<2600000x56xf32, #tpu.memory_space<hbm>>
        tpu.enqueue_indirect_dma source(%dma_start3A_322 : memref<2600000x56xf32, #tpu.memory_space<hbm>>) target(%dma_start3A_316 : memref<128x56xf32, #tpu.memory_space<vmem>>) offsets(%dma_start3A_319 : memref<128xi32, #tpu.memory_space<vmem>>) semaphore(%arg7 : memref<!tpu.dma_semaphore, #tpu.memory_space<semaphore_mem>>)
      } else {
      }
      %mul3A_129 = arith.constant 8 : i32
      %mul3A_130 = arith.muli %scan3A_106, %mul3A_129 : i32
      %add3A_131 = arith.constant 1 : i32
      %add3A_132 = arith.addi %mul3A_130, %add3A_131 : i32
      %dma_wait3A_133 = arith.constant 1 : i32
      %dma_wait3A_134 = arith.constant 0 : i32
      %dma_wait3A_135 = arith.constant 0 : i32
      %dma_wait3A_136 = tpu.memref_slice %arg6[%dma_wait3A_133, %dma_wait3A_134, %dma_wait3A_135] : memref<8x128x56xf32, #tpu.memory_space<vmem>> -> memref<1x128x56xf32, #tpu.memory_space<vmem>>
      %dma_wait3A_137 = tpu.memref_squeeze %dma_wait3A_136 : memref<1x128x56xf32, #tpu.memory_space<vmem>> -> memref<128x56xf32, #tpu.memory_space<vmem>>
      %dma_wait3A_138 = arith.constant 0 : i32
      %dma_wait3A_139 = tpu.memref_slice %arg5[%add3A_132, %dma_wait3A_138] : memref<104x128xi32, #tpu.memory_space<vmem>> -> memref<1x128xi32, #tpu.memory_space<vmem>>
      %dma_wait3A_140 = tpu.memref_squeeze %dma_wait3A_139 : memref<1x128xi32, #tpu.memory_space<vmem>> -> memref<128xi32, #tpu.memory_space<vmem>>
      %dma_wait3A_141 = arith.constant 0 : i32
      %dma_wait3A_142 = arith.constant 0 : i32
      %dma_wait3A_143 = tpu.memref_slice %arg3[%dma_wait3A_141, %dma_wait3A_142] : memref<2600000x56xf32, #tpu.memory_space<hbm>> -> memref<2600000x56xf32, #tpu.memory_space<hbm>>
      tpu.wait_indirect_dma semaphore(%arg8 : memref<!tpu.dma_semaphore, #tpu.memory_space<semaphore_mem>>) src(%dma_wait3A_143 : memref<2600000x56xf32, #tpu.memory_space<hbm>>) dst(%dma_wait3A_137 : memref<128x56xf32, #tpu.memory_space<vmem>>)
      %mul3A_144 = arith.constant 128 : i32
      %mul3A_145 = arith.muli %add3A_132, %mul3A_144 : i32
      %add3A_146 = arith.addi %mul3A_4, %mul3A_145 : i32
      %run_scoped3A_147 = arith.constant 1 : i32
      "tpu.region"() ({
        %run_scoped3A_312 = tpu.sem_alloc : memref<!tpu.dma_semaphore, #tpu.memory_space<semaphore_mem>>
        %dma_start3A_313 = arith.constant 0 : i32
        %dma_start3A_314 = arith.constant 0 : i32
        %dma_start3A_315 = tpu.memref_slice %arg6[%run_scoped3A_147, %dma_start3A_313, %dma_start3A_314] : memref<8x128x56xf32, #tpu.memory_space<vmem>> -> memref<1x128x56xf32, #tpu.memory_space<vmem>>
        %dma_start3A_316 = tpu.memref_squeeze %dma_start3A_315 : memref<1x128x56xf32, #tpu.memory_space<vmem>> -> memref<128x56xf32, #tpu.memory_space<vmem>>
        %dma_start3A_317 = arith.constant 0 : i32
        %dma_start3A_318 = tpu.memref_slice %arg4[%add3A_146, %dma_start3A_317] : memref<425984x56xf32, #tpu.memory_space<hbm>> -> memref<128x56xf32, #tpu.memory_space<hbm>>
        %dma_start3A_319 = arith.constant 0 : i32
        %dma_start3A_320 = tpu.memref_slice %arg4[%add3A_146, %dma_start3A_319] : memref<425984x56xf32, #tpu.memory_space<hbm>> -> memref<128x56xf32, #tpu.memory_space<hbm>>
        %dma_start3A_321 = arith.constant 0 : i32
        %dma_start3A_322 = arith.constant 0 : i32
        %dma_start3A_323 = tpu.memref_slice %arg6[%run_scoped3A_147, %dma_start3A_321, %dma_start3A_322] : memref<8x128x56xf32, #tpu.memory_space<vmem>> -> memref<1x128x56xf32, #tpu.memory_space<vmem>>
        %dma_start3A_324 = tpu.memref_squeeze %dma_start3A_323 : memref<1x128x56xf32, #tpu.memory_space<vmem>> -> memref<128x56xf32, #tpu.memory_space<vmem>>
        tpu.enqueue_dma source(%dma_start3A_324 : memref<128x56xf32, #tpu.memory_space<vmem>>) target(%dma_start3A_320 : memref<128x56xf32, #tpu.memory_space<hbm>>) target_semaphore(%run_scoped3A_312 : memref<!tpu.dma_semaphore, #tpu.memory_space<semaphore_mem>>)
        %dma_wait3A_325 = arith.constant 0 : i32
        %dma_wait3A_326 = arith.constant 0 : i32
        %dma_wait3A_327 = tpu.memref_slice %arg6[%run_scoped3A_147, %dma_wait3A_325, %dma_wait3A_326] : memref<8x128x56xf32, #tpu.memory_space<vmem>> -> memref<1x128x56xf32, #tpu.memory_space<vmem>>
        %dma_wait3A_328 = tpu.memref_squeeze %dma_wait3A_327 : memref<1x128x56xf32, #tpu.memory_space<vmem>> -> memref<128x56xf32, #tpu.memory_space<vmem>>
        %dma_wait3A_329 = arith.constant 0 : i32
        %dma_wait3A_330 = tpu.memref_slice %arg4[%add3A_146, %dma_wait3A_329] : memref<425984x56xf32, #tpu.memory_space<hbm>> -> memref<128x56xf32, #tpu.memory_space<hbm>>
        %dma_wait3A_331 = arith.constant 0 : i32
        %dma_wait3A_332 = tpu.memref_slice %arg4[%add3A_146, %dma_wait3A_331] : memref<425984x56xf32, #tpu.memory_space<hbm>> -> memref<128x56xf32, #tpu.memory_space<hbm>>
        %dma_wait3A_333 = arith.constant 0 : i32
        %dma_wait3A_334 = arith.constant 0 : i32
        %dma_wait3A_335 = tpu.memref_slice %arg6[%run_scoped3A_147, %dma_wait3A_333, %dma_wait3A_334] : memref<8x128x56xf32, #tpu.memory_space<vmem>> -> memref<1x128x56xf32, #tpu.memory_space<vmem>>
        %dma_wait3A_336 = tpu.memref_squeeze %dma_wait3A_335 : memref<1x128x56xf32, #tpu.memory_space<vmem>> -> memref<128x56xf32, #tpu.memory_space<vmem>>
        tpu.wait_dma2 semaphore(%run_scoped3A_312 : memref<!tpu.dma_semaphore, #tpu.memory_space<semaphore_mem>>) src(%dma_wait3A_336 : memref<128x56xf32, #tpu.memory_space<vmem>>) dst(%dma_wait3A_332 : memref<128x56xf32, #tpu.memory_space<hbm>>)
        tpu.yield
      }) : () -> ()
      %add3A_148 = arith.constant 8 : i32
      %add3A_149 = arith.addi %add3A_132, %add3A_148 : i32
      %lt3A_150 = arith.constant 104 : i32
      %lt3A_151 = arith.cmpi slt, %add3A_149, %lt3A_150 : i32
      %convert_element_type3A_152 = arith.extui %lt3A_151 : i1 to i32
      %cond3A_153 = arith.constant 0 : i32
      %cond3A_154 = arith.cmpi ne, %convert_element_type3A_152, %cond3A_153 : i32
      scf.if %cond3A_154 {
        %dma_start3A_312 = arith.constant 1 : i32
        %dma_start3A_313 = arith.constant 0 : i32
        %dma_start3A_314 = arith.constant 0 : i32
        %dma_start3A_315 = tpu.memref_slice %arg6[%dma_start3A_312, %dma_start3A_313, %dma_start3A_314] : memref<8x128x56xf32, #tpu.memory_space<vmem>> -> memref<1x128x56xf32, #tpu.memory_space<vmem>>
        %dma_start3A_316 = tpu.memref_squeeze %dma_start3A_315 : memref<1x128x56xf32, #tpu.memory_space<vmem>> -> memref<128x56xf32, #tpu.memory_space<vmem>>
        %dma_start3A_317 = arith.constant 0 : i32
        %dma_start3A_318 = tpu.memref_slice %arg5[%add3A_149, %dma_start3A_317] : memref<104x128xi32, #tpu.memory_space<vmem>> -> memref<1x128xi32, #tpu.memory_space<vmem>>
        %dma_start3A_319 = tpu.memref_squeeze %dma_start3A_318 : memref<1x128xi32, #tpu.memory_space<vmem>> -> memref<128xi32, #tpu.memory_space<vmem>>
        %dma_start3A_320 = arith.constant 0 : i32
        %dma_start3A_321 = arith.constant 0 : i32
        %dma_start3A_322 = tpu.memref_slice %arg3[%dma_start3A_320, %dma_start3A_321] : memref<2600000x56xf32, #tpu.memory_space<hbm>> -> memref<2600000x56xf32, #tpu.memory_space<hbm>>
        tpu.enqueue_indirect_dma source(%dma_start3A_322 : memref<2600000x56xf32, #tpu.memory_space<hbm>>) target(%dma_start3A_316 : memref<128x56xf32, #tpu.memory_space<vmem>>) offsets(%dma_start3A_319 : memref<128xi32, #tpu.memory_space<vmem>>) semaphore(%arg8 : memref<!tpu.dma_semaphore, #tpu.memory_space<semaphore_mem>>)
      } else {
      }
      %mul3A_155 = arith.constant 8 : i32
      %mul3A_156 = arith.muli %scan3A_106, %mul3A_155 : i32
      %add3A_157 = arith.constant 2 : i32
      %add3A_158 = arith.addi %mul3A_156, %add3A_157 : i32
      %dma_wait3A_159 = arith.constant 2 : i32
      %dma_wait3A_160 = arith.constant 0 : i32
      %dma_wait3A_161 = arith.constant 0 : i32
      %dma_wait3A_162 = tpu.memref_slice %arg6[%dma_wait3A_159, %dma_wait3A_160, %dma_wait3A_161] : memref<8x128x56xf32, #tpu.memory_space<vmem>> -> memref<1x128x56xf32, #tpu.memory_space<vmem>>
      %dma_wait3A_163 = tpu.memref_squeeze %dma_wait3A_162 : memref<1x128x56xf32, #tpu.memory_space<vmem>> -> memref<128x56xf32, #tpu.memory_space<vmem>>
      %dma_wait3A_164 = arith.constant 0 : i32
      %dma_wait3A_165 = tpu.memref_slice %arg5[%add3A_158, %dma_wait3A_164] : memref<104x128xi32, #tpu.memory_space<vmem>> -> memref<1x128xi32, #tpu.memory_space<vmem>>
      %dma_wait3A_166 = tpu.memref_squeeze %dma_wait3A_165 : memref<1x128xi32, #tpu.memory_space<vmem>> -> memref<128xi32, #tpu.memory_space<vmem>>
      %dma_wait3A_167 = arith.constant 0 : i32
      %dma_wait3A_168 = arith.constant 0 : i32
      %dma_wait3A_169 = tpu.memref_slice %arg3[%dma_wait3A_167, %dma_wait3A_168] : memref<2600000x56xf32, #tpu.memory_space<hbm>> -> memref<2600000x56xf32, #tpu.memory_space<hbm>>
      tpu.wait_indirect_dma semaphore(%arg9 : memref<!tpu.dma_semaphore, #tpu.memory_space<semaphore_mem>>) src(%dma_wait3A_169 : memref<2600000x56xf32, #tpu.memory_space<hbm>>) dst(%dma_wait3A_163 : memref<128x56xf32, #tpu.memory_space<vmem>>)
      %mul3A_170 = arith.constant 128 : i32
      %mul3A_171 = arith.muli %add3A_158, %mul3A_170 : i32
      %add3A_172 = arith.addi %mul3A_4, %mul3A_171 : i32
      %run_scoped3A_173 = arith.constant 2 : i32
      "tpu.region"() ({
        %run_scoped3A_312 = tpu.sem_alloc : memref<!tpu.dma_semaphore, #tpu.memory_space<semaphore_mem>>
        %dma_start3A_313 = arith.constant 0 : i32
        %dma_start3A_314 = arith.constant 0 : i32
        %dma_start3A_315 = tpu.memref_slice %arg6[%run_scoped3A_173, %dma_start3A_313, %dma_start3A_314] : memref<8x128x56xf32, #tpu.memory_space<vmem>> -> memref<1x128x56xf32, #tpu.memory_space<vmem>>
        %dma_start3A_316 = tpu.memref_squeeze %dma_start3A_315 : memref<1x128x56xf32, #tpu.memory_space<vmem>> -> memref<128x56xf32, #tpu.memory_space<vmem>>
        %dma_start3A_317 = arith.constant 0 : i32
        %dma_start3A_318 = tpu.memref_slice %arg4[%add3A_172, %dma_start3A_317] : memref<425984x56xf32, #tpu.memory_space<hbm>> -> memref<128x56xf32, #tpu.memory_space<hbm>>
        %dma_start3A_319 = arith.constant 0 : i32
        %dma_start3A_320 = tpu.memref_slice %arg4[%add3A_172, %dma_start3A_319] : memref<425984x56xf32, #tpu.memory_space<hbm>> -> memref<128x56xf32, #tpu.memory_space<hbm>>
        %dma_start3A_321 = arith.constant 0 : i32
        %dma_start3A_322 = arith.constant 0 : i32
        %dma_start3A_323 = tpu.memref_slice %arg6[%run_scoped3A_173, %dma_start3A_321, %dma_start3A_322] : memref<8x128x56xf32, #tpu.memory_space<vmem>> -> memref<1x128x56xf32, #tpu.memory_space<vmem>>
        %dma_start3A_324 = tpu.memref_squeeze %dma_start3A_323 : memref<1x128x56xf32, #tpu.memory_space<vmem>> -> memref<128x56xf32, #tpu.memory_space<vmem>>
        tpu.enqueue_dma source(%dma_start3A_324 : memref<128x56xf32, #tpu.memory_space<vmem>>) target(%dma_start3A_320 : memref<128x56xf32, #tpu.memory_space<hbm>>) target_semaphore(%run_scoped3A_312 : memref<!tpu.dma_semaphore, #tpu.memory_space<semaphore_mem>>)
        %dma_wait3A_325 = arith.constant 0 : i32
        %dma_wait3A_326 = arith.constant 0 : i32
        %dma_wait3A_327 = tpu.memref_slice %arg6[%run_scoped3A_173, %dma_wait3A_325, %dma_wait3A_326] : memref<8x128x56xf32, #tpu.memory_space<vmem>> -> memref<1x128x56xf32, #tpu.memory_space<vmem>>
        %dma_wait3A_328 = tpu.memref_squeeze %dma_wait3A_327 : memref<1x128x56xf32, #tpu.memory_space<vmem>> -> memref<128x56xf32, #tpu.memory_space<vmem>>
        %dma_wait3A_329 = arith.constant 0 : i32
        %dma_wait3A_330 = tpu.memref_slice %arg4[%add3A_172, %dma_wait3A_329] : memref<425984x56xf32, #tpu.memory_space<hbm>> -> memref<128x56xf32, #tpu.memory_space<hbm>>
        %dma_wait3A_331 = arith.constant 0 : i32
        %dma_wait3A_332 = tpu.memref_slice %arg4[%add3A_172, %dma_wait3A_331] : memref<425984x56xf32, #tpu.memory_space<hbm>> -> memref<128x56xf32, #tpu.memory_space<hbm>>
        %dma_wait3A_333 = arith.constant 0 : i32
        %dma_wait3A_334 = arith.constant 0 : i32
        %dma_wait3A_335 = tpu.memref_slice %arg6[%run_scoped3A_173, %dma_wait3A_333, %dma_wait3A_334] : memref<8x128x56xf32, #tpu.memory_space<vmem>> -> memref<1x128x56xf32, #tpu.memory_space<vmem>>
        %dma_wait3A_336 = tpu.memref_squeeze %dma_wait3A_335 : memref<1x128x56xf32, #tpu.memory_space<vmem>> -> memref<128x56xf32, #tpu.memory_space<vmem>>
        tpu.wait_dma2 semaphore(%run_scoped3A_312 : memref<!tpu.dma_semaphore, #tpu.memory_space<semaphore_mem>>) src(%dma_wait3A_336 : memref<128x56xf32, #tpu.memory_space<vmem>>) dst(%dma_wait3A_332 : memref<128x56xf32, #tpu.memory_space<hbm>>)
        tpu.yield
      }) : () -> ()
      %add3A_174 = arith.constant 8 : i32
      %add3A_175 = arith.addi %add3A_158, %add3A_174 : i32
      %lt3A_176 = arith.constant 104 : i32
      %lt3A_177 = arith.cmpi slt, %add3A_175, %lt3A_176 : i32
      %convert_element_type3A_178 = arith.extui %lt3A_177 : i1 to i32
      %cond3A_179 = arith.constant 0 : i32
      %cond3A_180 = arith.cmpi ne, %convert_element_type3A_178, %cond3A_179 : i32
      scf.if %cond3A_180 {
        %dma_start3A_312 = arith.constant 2 : i32
        %dma_start3A_313 = arith.constant 0 : i32
        %dma_start3A_314 = arith.constant 0 : i32
        %dma_start3A_315 = tpu.memref_slice %arg6[%dma_start3A_312, %dma_start3A_313, %dma_start3A_314] : memref<8x128x56xf32, #tpu.memory_space<vmem>> -> memref<1x128x56xf32, #tpu.memory_space<vmem>>
        %dma_start3A_316 = tpu.memref_squeeze %dma_start3A_315 : memref<1x128x56xf32, #tpu.memory_space<vmem>> -> memref<128x56xf32, #tpu.memory_space<vmem>>
        %dma_start3A_317 = arith.constant 0 : i32
        %dma_start3A_318 = tpu.memref_slice %arg5[%add3A_175, %dma_start3A_317] : memref<104x128xi32, #tpu.memory_space<vmem>> -> memref<1x128xi32, #tpu.memory_space<vmem>>
        %dma_start3A_319 = tpu.memref_squeeze %dma_start3A_318 : memref<1x128xi32, #tpu.memory_space<vmem>> -> memref<128xi32, #tpu.memory_space<vmem>>
        %dma_start3A_320 = arith.constant 0 : i32
        %dma_start3A_321 = arith.constant 0 : i32
        %dma_start3A_322 = tpu.memref_slice %arg3[%dma_start3A_320, %dma_start3A_321] : memref<2600000x56xf32, #tpu.memory_space<hbm>> -> memref<2600000x56xf32, #tpu.memory_space<hbm>>
        tpu.enqueue_indirect_dma source(%dma_start3A_322 : memref<2600000x56xf32, #tpu.memory_space<hbm>>) target(%dma_start3A_316 : memref<128x56xf32, #tpu.memory_space<vmem>>) offsets(%dma_start3A_319 : memref<128xi32, #tpu.memory_space<vmem>>) semaphore(%arg9 : memref<!tpu.dma_semaphore, #tpu.memory_space<semaphore_mem>>)
      } else {
      }
      %mul3A_181 = arith.constant 8 : i32
      %mul3A_182 = arith.muli %scan3A_106, %mul3A_181 : i32
      %add3A_183 = arith.constant 3 : i32
      %add3A_184 = arith.addi %mul3A_182, %add3A_183 : i32
      %dma_wait3A_185 = arith.constant 3 : i32
      %dma_wait3A_186 = arith.constant 0 : i32
      %dma_wait3A_187 = arith.constant 0 : i32
      %dma_wait3A_188 = tpu.memref_slice %arg6[%dma_wait3A_185, %dma_wait3A_186, %dma_wait3A_187] : memref<8x128x56xf32, #tpu.memory_space<vmem>> -> memref<1x128x56xf32, #tpu.memory_space<vmem>>
      %dma_wait3A_189 = tpu.memref_squeeze %dma_wait3A_188 : memref<1x128x56xf32, #tpu.memory_space<vmem>> -> memref<128x56xf32, #tpu.memory_space<vmem>>
      %dma_wait3A_190 = arith.constant 0 : i32
      %dma_wait3A_191 = tpu.memref_slice %arg5[%add3A_184, %dma_wait3A_190] : memref<104x128xi32, #tpu.memory_space<vmem>> -> memref<1x128xi32, #tpu.memory_space<vmem>>
      %dma_wait3A_192 = tpu.memref_squeeze %dma_wait3A_191 : memref<1x128xi32, #tpu.memory_space<vmem>> -> memref<128xi32, #tpu.memory_space<vmem>>
      %dma_wait3A_193 = arith.constant 0 : i32
      %dma_wait3A_194 = arith.constant 0 : i32
      %dma_wait3A_195 = tpu.memref_slice %arg3[%dma_wait3A_193, %dma_wait3A_194] : memref<2600000x56xf32, #tpu.memory_space<hbm>> -> memref<2600000x56xf32, #tpu.memory_space<hbm>>
      tpu.wait_indirect_dma semaphore(%arg10 : memref<!tpu.dma_semaphore, #tpu.memory_space<semaphore_mem>>) src(%dma_wait3A_195 : memref<2600000x56xf32, #tpu.memory_space<hbm>>) dst(%dma_wait3A_189 : memref<128x56xf32, #tpu.memory_space<vmem>>)
      %mul3A_196 = arith.constant 128 : i32
      %mul3A_197 = arith.muli %add3A_184, %mul3A_196 : i32
      %add3A_198 = arith.addi %mul3A_4, %mul3A_197 : i32
      %run_scoped3A_199 = arith.constant 3 : i32
      "tpu.region"() ({
        %run_scoped3A_312 = tpu.sem_alloc : memref<!tpu.dma_semaphore, #tpu.memory_space<semaphore_mem>>
        %dma_start3A_313 = arith.constant 0 : i32
        %dma_start3A_314 = arith.constant 0 : i32
        %dma_start3A_315 = tpu.memref_slice %arg6[%run_scoped3A_199, %dma_start3A_313, %dma_start3A_314] : memref<8x128x56xf32, #tpu.memory_space<vmem>> -> memref<1x128x56xf32, #tpu.memory_space<vmem>>
        %dma_start3A_316 = tpu.memref_squeeze %dma_start3A_315 : memref<1x128x56xf32, #tpu.memory_space<vmem>> -> memref<128x56xf32, #tpu.memory_space<vmem>>
        %dma_start3A_317 = arith.constant 0 : i32
        %dma_start3A_318 = tpu.memref_slice %arg4[%add3A_198, %dma_start3A_317] : memref<425984x56xf32, #tpu.memory_space<hbm>> -> memref<128x56xf32, #tpu.memory_space<hbm>>
        %dma_start3A_319 = arith.constant 0 : i32
        %dma_start3A_320 = tpu.memref_slice %arg4[%add3A_198, %dma_start3A_319] : memref<425984x56xf32, #tpu.memory_space<hbm>> -> memref<128x56xf32, #tpu.memory_space<hbm>>
        %dma_start3A_321 = arith.constant 0 : i32
        %dma_start3A_322 = arith.constant 0 : i32
        %dma_start3A_323 = tpu.memref_slice %arg6[%run_scoped3A_199, %dma_start3A_321, %dma_start3A_322] : memref<8x128x56xf32, #tpu.memory_space<vmem>> -> memref<1x128x56xf32, #tpu.memory_space<vmem>>
        %dma_start3A_324 = tpu.memref_squeeze %dma_start3A_323 : memref<1x128x56xf32, #tpu.memory_space<vmem>> -> memref<128x56xf32, #tpu.memory_space<vmem>>
        tpu.enqueue_dma source(%dma_start3A_324 : memref<128x56xf32, #tpu.memory_space<vmem>>) target(%dma_start3A_320 : memref<128x56xf32, #tpu.memory_space<hbm>>) target_semaphore(%run_scoped3A_312 : memref<!tpu.dma_semaphore, #tpu.memory_space<semaphore_mem>>)
        %dma_wait3A_325 = arith.constant 0 : i32
        %dma_wait3A_326 = arith.constant 0 : i32
        %dma_wait3A_327 = tpu.memref_slice %arg6[%run_scoped3A_199, %dma_wait3A_325, %dma_wait3A_326] : memref<8x128x56xf32, #tpu.memory_space<vmem>> -> memref<1x128x56xf32, #tpu.memory_space<vmem>>
        %dma_wait3A_328 = tpu.memref_squeeze %dma_wait3A_327 : memref<1x128x56xf32, #tpu.memory_space<vmem>> -> memref<128x56xf32, #tpu.memory_space<vmem>>
        %dma_wait3A_329 = arith.constant 0 : i32
        %dma_wait3A_330 = tpu.memref_slice %arg4[%add3A_198, %dma_wait3A_329] : memref<425984x56xf32, #tpu.memory_space<hbm>> -> memref<128x56xf32, #tpu.memory_space<hbm>>
        %dma_wait3A_331 = arith.constant 0 : i32
        %dma_wait3A_332 = tpu.memref_slice %arg4[%add3A_198, %dma_wait3A_331] : memref<425984x56xf32, #tpu.memory_space<hbm>> -> memref<128x56xf32, #tpu.memory_space<hbm>>
        %dma_wait3A_333 = arith.constant 0 : i32
        %dma_wait3A_334 = arith.constant 0 : i32
        %dma_wait3A_335 = tpu.memref_slice %arg6[%run_scoped3A_199, %dma_wait3A_333, %dma_wait3A_334] : memref<8x128x56xf32, #tpu.memory_space<vmem>> -> memref<1x128x56xf32, #tpu.memory_space<vmem>>
        %dma_wait3A_336 = tpu.memref_squeeze %dma_wait3A_335 : memref<1x128x56xf32, #tpu.memory_space<vmem>> -> memref<128x56xf32, #tpu.memory_space<vmem>>
        tpu.wait_dma2 semaphore(%run_scoped3A_312 : memref<!tpu.dma_semaphore, #tpu.memory_space<semaphore_mem>>) src(%dma_wait3A_336 : memref<128x56xf32, #tpu.memory_space<vmem>>) dst(%dma_wait3A_332 : memref<128x56xf32, #tpu.memory_space<hbm>>)
        tpu.yield
      }) : () -> ()
      %add3A_200 = arith.constant 8 : i32
      %add3A_201 = arith.addi %add3A_184, %add3A_200 : i32
      %lt3A_202 = arith.constant 104 : i32
      %lt3A_203 = arith.cmpi slt, %add3A_201, %lt3A_202 : i32
      %convert_element_type3A_204 = arith.extui %lt3A_203 : i1 to i32
      %cond3A_205 = arith.constant 0 : i32
      %cond3A_206 = arith.cmpi ne, %convert_element_type3A_204, %cond3A_205 : i32
      scf.if %cond3A_206 {
        %dma_start3A_312 = arith.constant 3 : i32
        %dma_start3A_313 = arith.constant 0 : i32
        %dma_start3A_314 = arith.constant 0 : i32
        %dma_start3A_315 = tpu.memref_slice %arg6[%dma_start3A_312, %dma_start3A_313, %dma_start3A_314] : memref<8x128x56xf32, #tpu.memory_space<vmem>> -> memref<1x128x56xf32, #tpu.memory_space<vmem>>
        %dma_start3A_316 = tpu.memref_squeeze %dma_start3A_315 : memref<1x128x56xf32, #tpu.memory_space<vmem>> -> memref<128x56xf32, #tpu.memory_space<vmem>>
        %dma_start3A_317 = arith.constant 0 : i32
        %dma_start3A_318 = tpu.memref_slice %arg5[%add3A_201, %dma_start3A_317] : memref<104x128xi32, #tpu.memory_space<vmem>> -> memref<1x128xi32, #tpu.memory_space<vmem>>
        %dma_start3A_319 = tpu.memref_squeeze %dma_start3A_318 : memref<1x128xi32, #tpu.memory_space<vmem>> -> memref<128xi32, #tpu.memory_space<vmem>>
        %dma_start3A_320 = arith.constant 0 : i32
        %dma_start3A_321 = arith.constant 0 : i32
        %dma_start3A_322 = tpu.memref_slice %arg3[%dma_start3A_320, %dma_start3A_321] : memref<2600000x56xf32, #tpu.memory_space<hbm>> -> memref<2600000x56xf32, #tpu.memory_space<hbm>>
        tpu.enqueue_indirect_dma source(%dma_start3A_322 : memref<2600000x56xf32, #tpu.memory_space<hbm>>) target(%dma_start3A_316 : memref<128x56xf32, #tpu.memory_space<vmem>>) offsets(%dma_start3A_319 : memref<128xi32, #tpu.memory_space<vmem>>) semaphore(%arg10 : memref<!tpu.dma_semaphore, #tpu.memory_space<semaphore_mem>>)
      } else {
      }
      %mul3A_207 = arith.constant 8 : i32
      %mul3A_208 = arith.muli %scan3A_106, %mul3A_207 : i32
      %add3A_209 = arith.constant 4 : i32
      %add3A_210 = arith.addi %mul3A_208, %add3A_209 : i32
      %dma_wait3A_211 = arith.constant 4 : i32
      %dma_wait3A_212 = arith.constant 0 : i32
      %dma_wait3A_213 = arith.constant 0 : i32
      %dma_wait3A_214 = tpu.memref_slice %arg6[%dma_wait3A_211, %dma_wait3A_212, %dma_wait3A_213] : memref<8x128x56xf32, #tpu.memory_space<vmem>> -> memref<1x128x56xf32, #tpu.memory_space<vmem>>
      %dma_wait3A_215 = tpu.memref_squeeze %dma_wait3A_214 : memref<1x128x56xf32, #tpu.memory_space<vmem>> -> memref<128x56xf32, #tpu.memory_space<vmem>>
      %dma_wait3A_216 = arith.constant 0 : i32
      %dma_wait3A_217 = tpu.memref_slice %arg5[%add3A_210, %dma_wait3A_216] : memref<104x128xi32, #tpu.memory_space<vmem>> -> memref<1x128xi32, #tpu.memory_space<vmem>>
      %dma_wait3A_218 = tpu.memref_squeeze %dma_wait3A_217 : memref<1x128xi32, #tpu.memory_space<vmem>> -> memref<128xi32, #tpu.memory_space<vmem>>
      %dma_wait3A_219 = arith.constant 0 : i32
      %dma_wait3A_220 = arith.constant 0 : i32
      %dma_wait3A_221 = tpu.memref_slice %arg3[%dma_wait3A_219, %dma_wait3A_220] : memref<2600000x56xf32, #tpu.memory_space<hbm>> -> memref<2600000x56xf32, #tpu.memory_space<hbm>>
      tpu.wait_indirect_dma semaphore(%arg11 : memref<!tpu.dma_semaphore, #tpu.memory_space<semaphore_mem>>) src(%dma_wait3A_221 : memref<2600000x56xf32, #tpu.memory_space<hbm>>) dst(%dma_wait3A_215 : memref<128x56xf32, #tpu.memory_space<vmem>>)
      %mul3A_222 = arith.constant 128 : i32
      %mul3A_223 = arith.muli %add3A_210, %mul3A_222 : i32
      %add3A_224 = arith.addi %mul3A_4, %mul3A_223 : i32
      %run_scoped3A_225 = arith.constant 4 : i32
      "tpu.region"() ({
        %run_scoped3A_312 = tpu.sem_alloc : memref<!tpu.dma_semaphore, #tpu.memory_space<semaphore_mem>>
        %dma_start3A_313 = arith.constant 0 : i32
        %dma_start3A_314 = arith.constant 0 : i32
        %dma_start3A_315 = tpu.memref_slice %arg6[%run_scoped3A_225, %dma_start3A_313, %dma_start3A_314] : memref<8x128x56xf32, #tpu.memory_space<vmem>> -> memref<1x128x56xf32, #tpu.memory_space<vmem>>
        %dma_start3A_316 = tpu.memref_squeeze %dma_start3A_315 : memref<1x128x56xf32, #tpu.memory_space<vmem>> -> memref<128x56xf32, #tpu.memory_space<vmem>>
        %dma_start3A_317 = arith.constant 0 : i32
        %dma_start3A_318 = tpu.memref_slice %arg4[%add3A_224, %dma_start3A_317] : memref<425984x56xf32, #tpu.memory_space<hbm>> -> memref<128x56xf32, #tpu.memory_space<hbm>>
        %dma_start3A_319 = arith.constant 0 : i32
        %dma_start3A_320 = tpu.memref_slice %arg4[%add3A_224, %dma_start3A_319] : memref<425984x56xf32, #tpu.memory_space<hbm>> -> memref<128x56xf32, #tpu.memory_space<hbm>>
        %dma_start3A_321 = arith.constant 0 : i32
        %dma_start3A_322 = arith.constant 0 : i32
        %dma_start3A_323 = tpu.memref_slice %arg6[%run_scoped3A_225, %dma_start3A_321, %dma_start3A_322] : memref<8x128x56xf32, #tpu.memory_space<vmem>> -> memref<1x128x56xf32, #tpu.memory_space<vmem>>
        %dma_start3A_324 = tpu.memref_squeeze %dma_start3A_323 : memref<1x128x56xf32, #tpu.memory_space<vmem>> -> memref<128x56xf32, #tpu.memory_space<vmem>>
        tpu.enqueue_dma source(%dma_start3A_324 : memref<128x56xf32, #tpu.memory_space<vmem>>) target(%dma_start3A_320 : memref<128x56xf32, #tpu.memory_space<hbm>>) target_semaphore(%run_scoped3A_312 : memref<!tpu.dma_semaphore, #tpu.memory_space<semaphore_mem>>)
        %dma_wait3A_325 = arith.constant 0 : i32
        %dma_wait3A_326 = arith.constant 0 : i32
        %dma_wait3A_327 = tpu.memref_slice %arg6[%run_scoped3A_225, %dma_wait3A_325, %dma_wait3A_326] : memref<8x128x56xf32, #tpu.memory_space<vmem>> -> memref<1x128x56xf32, #tpu.memory_space<vmem>>
        %dma_wait3A_328 = tpu.memref_squeeze %dma_wait3A_327 : memref<1x128x56xf32, #tpu.memory_space<vmem>> -> memref<128x56xf32, #tpu.memory_space<vmem>>
        %dma_wait3A_329 = arith.constant 0 : i32
        %dma_wait3A_330 = tpu.memref_slice %arg4[%add3A_224, %dma_wait3A_329] : memref<425984x56xf32, #tpu.memory_space<hbm>> -> memref<128x56xf32, #tpu.memory_space<hbm>>
        %dma_wait3A_331 = arith.constant 0 : i32
        %dma_wait3A_332 = tpu.memref_slice %arg4[%add3A_224, %dma_wait3A_331] : memref<425984x56xf32, #tpu.memory_space<hbm>> -> memref<128x56xf32, #tpu.memory_space<hbm>>
        %dma_wait3A_333 = arith.constant 0 : i32
        %dma_wait3A_334 = arith.constant 0 : i32
        %dma_wait3A_335 = tpu.memref_slice %arg6[%run_scoped3A_225, %dma_wait3A_333, %dma_wait3A_334] : memref<8x128x56xf32, #tpu.memory_space<vmem>> -> memref<1x128x56xf32, #tpu.memory_space<vmem>>
        %dma_wait3A_336 = tpu.memref_squeeze %dma_wait3A_335 : memref<1x128x56xf32, #tpu.memory_space<vmem>> -> memref<128x56xf32, #tpu.memory_space<vmem>>
        tpu.wait_dma2 semaphore(%run_scoped3A_312 : memref<!tpu.dma_semaphore, #tpu.memory_space<semaphore_mem>>) src(%dma_wait3A_336 : memref<128x56xf32, #tpu.memory_space<vmem>>) dst(%dma_wait3A_332 : memref<128x56xf32, #tpu.memory_space<hbm>>)
        tpu.yield
      }) : () -> ()
      %add3A_226 = arith.constant 8 : i32
      %add3A_227 = arith.addi %add3A_210, %add3A_226 : i32
      %lt3A_228 = arith.constant 104 : i32
      %lt3A_229 = arith.cmpi slt, %add3A_227, %lt3A_228 : i32
      %convert_element_type3A_230 = arith.extui %lt3A_229 : i1 to i32
      %cond3A_231 = arith.constant 0 : i32
      %cond3A_232 = arith.cmpi ne, %convert_element_type3A_230, %cond3A_231 : i32
      scf.if %cond3A_232 {
        %dma_start3A_312 = arith.constant 4 : i32
        %dma_start3A_313 = arith.constant 0 : i32
        %dma_start3A_314 = arith.constant 0 : i32
        %dma_start3A_315 = tpu.memref_slice %arg6[%dma_start3A_312, %dma_start3A_313, %dma_start3A_314] : memref<8x128x56xf32, #tpu.memory_space<vmem>> -> memref<1x128x56xf32, #tpu.memory_space<vmem>>
        %dma_start3A_316 = tpu.memref_squeeze %dma_start3A_315 : memref<1x128x56xf32, #tpu.memory_space<vmem>> -> memref<128x56xf32, #tpu.memory_space<vmem>>
        %dma_start3A_317 = arith.constant 0 : i32
        %dma_start3A_318 = tpu.memref_slice %arg5[%add3A_227, %dma_start3A_317] : memref<104x128xi32, #tpu.memory_space<vmem>> -> memref<1x128xi32, #tpu.memory_space<vmem>>
        %dma_start3A_319 = tpu.memref_squeeze %dma_start3A_318 : memref<1x128xi32, #tpu.memory_space<vmem>> -> memref<128xi32, #tpu.memory_space<vmem>>
        %dma_start3A_320 = arith.constant 0 : i32
        %dma_start3A_321 = arith.constant 0 : i32
        %dma_start3A_322 = tpu.memref_slice %arg3[%dma_start3A_320, %dma_start3A_321] : memref<2600000x56xf32, #tpu.memory_space<hbm>> -> memref<2600000x56xf32, #tpu.memory_space<hbm>>
        tpu.enqueue_indirect_dma source(%dma_start3A_322 : memref<2600000x56xf32, #tpu.memory_space<hbm>>) target(%dma_start3A_316 : memref<128x56xf32, #tpu.memory_space<vmem>>) offsets(%dma_start3A_319 : memref<128xi32, #tpu.memory_space<vmem>>) semaphore(%arg11 : memref<!tpu.dma_semaphore, #tpu.memory_space<semaphore_mem>>)
      } else {
      }
      %mul3A_233 = arith.constant 8 : i32
      %mul3A_234 = arith.muli %scan3A_106, %mul3A_233 : i32
      %add3A_235 = arith.constant 5 : i32
      %add3A_236 = arith.addi %mul3A_234, %add3A_235 : i32
      %dma_wait3A_237 = arith.constant 5 : i32
      %dma_wait3A_238 = arith.constant 0 : i32
      %dma_wait3A_239 = arith.constant 0 : i32
      %dma_wait3A_240 = tpu.memref_slice %arg6[%dma_wait3A_237, %dma_wait3A_238, %dma_wait3A_239] : memref<8x128x56xf32, #tpu.memory_space<vmem>> -> memref<1x128x56xf32, #tpu.memory_space<vmem>>
      %dma_wait3A_241 = tpu.memref_squeeze %dma_wait3A_240 : memref<1x128x56xf32, #tpu.memory_space<vmem>> -> memref<128x56xf32, #tpu.memory_space<vmem>>
      %dma_wait3A_242 = arith.constant 0 : i32
      %dma_wait3A_243 = tpu.memref_slice %arg5[%add3A_236, %dma_wait3A_242] : memref<104x128xi32, #tpu.memory_space<vmem>> -> memref<1x128xi32, #tpu.memory_space<vmem>>
      %dma_wait3A_244 = tpu.memref_squeeze %dma_wait3A_243 : memref<1x128xi32, #tpu.memory_space<vmem>> -> memref<128xi32, #tpu.memory_space<vmem>>
      %dma_wait3A_245 = arith.constant 0 : i32
      %dma_wait3A_246 = arith.constant 0 : i32
      %dma_wait3A_247 = tpu.memref_slice %arg3[%dma_wait3A_245, %dma_wait3A_246] : memref<2600000x56xf32, #tpu.memory_space<hbm>> -> memref<2600000x56xf32, #tpu.memory_space<hbm>>
      tpu.wait_indirect_dma semaphore(%arg12 : memref<!tpu.dma_semaphore, #tpu.memory_space<semaphore_mem>>) src(%dma_wait3A_247 : memref<2600000x56xf32, #tpu.memory_space<hbm>>) dst(%dma_wait3A_241 : memref<128x56xf32, #tpu.memory_space<vmem>>)
      %mul3A_248 = arith.constant 128 : i32
      %mul3A_249 = arith.muli %add3A_236, %mul3A_248 : i32
      %add3A_250 = arith.addi %mul3A_4, %mul3A_249 : i32
      %run_scoped3A_251 = arith.constant 5 : i32
      "tpu.region"() ({
        %run_scoped3A_312 = tpu.sem_alloc : memref<!tpu.dma_semaphore, #tpu.memory_space<semaphore_mem>>
        %dma_start3A_313 = arith.constant 0 : i32
        %dma_start3A_314 = arith.constant 0 : i32
        %dma_start3A_315 = tpu.memref_slice %arg6[%run_scoped3A_251, %dma_start3A_313, %dma_start3A_314] : memref<8x128x56xf32, #tpu.memory_space<vmem>> -> memref<1x128x56xf32, #tpu.memory_space<vmem>>
        %dma_start3A_316 = tpu.memref_squeeze %dma_start3A_315 : memref<1x128x56xf32, #tpu.memory_space<vmem>> -> memref<128x56xf32, #tpu.memory_space<vmem>>
        %dma_start3A_317 = arith.constant 0 : i32
        %dma_start3A_318 = tpu.memref_slice %arg4[%add3A_250, %dma_start3A_317] : memref<425984x56xf32, #tpu.memory_space<hbm>> -> memref<128x56xf32, #tpu.memory_space<hbm>>
        %dma_start3A_319 = arith.constant 0 : i32
        %dma_start3A_320 = tpu.memref_slice %arg4[%add3A_250, %dma_start3A_319] : memref<425984x56xf32, #tpu.memory_space<hbm>> -> memref<128x56xf32, #tpu.memory_space<hbm>>
        %dma_start3A_321 = arith.constant 0 : i32
        %dma_start3A_322 = arith.constant 0 : i32
        %dma_start3A_323 = tpu.memref_slice %arg6[%run_scoped3A_251, %dma_start3A_321, %dma_start3A_322] : memref<8x128x56xf32, #tpu.memory_space<vmem>> -> memref<1x128x56xf32, #tpu.memory_space<vmem>>
        %dma_start3A_324 = tpu.memref_squeeze %dma_start3A_323 : memref<1x128x56xf32, #tpu.memory_space<vmem>> -> memref<128x56xf32, #tpu.memory_space<vmem>>
        tpu.enqueue_dma source(%dma_start3A_324 : memref<128x56xf32, #tpu.memory_space<vmem>>) target(%dma_start3A_320 : memref<128x56xf32, #tpu.memory_space<hbm>>) target_semaphore(%run_scoped3A_312 : memref<!tpu.dma_semaphore, #tpu.memory_space<semaphore_mem>>)
        %dma_wait3A_325 = arith.constant 0 : i32
        %dma_wait3A_326 = arith.constant 0 : i32
        %dma_wait3A_327 = tpu.memref_slice %arg6[%run_scoped3A_251, %dma_wait3A_325, %dma_wait3A_326] : memref<8x128x56xf32, #tpu.memory_space<vmem>> -> memref<1x128x56xf32, #tpu.memory_space<vmem>>
        %dma_wait3A_328 = tpu.memref_squeeze %dma_wait3A_327 : memref<1x128x56xf32, #tpu.memory_space<vmem>> -> memref<128x56xf32, #tpu.memory_space<vmem>>
        %dma_wait3A_329 = arith.constant 0 : i32
        %dma_wait3A_330 = tpu.memref_slice %arg4[%add3A_250, %dma_wait3A_329] : memref<425984x56xf32, #tpu.memory_space<hbm>> -> memref<128x56xf32, #tpu.memory_space<hbm>>
        %dma_wait3A_331 = arith.constant 0 : i32
        %dma_wait3A_332 = tpu.memref_slice %arg4[%add3A_250, %dma_wait3A_331] : memref<425984x56xf32, #tpu.memory_space<hbm>> -> memref<128x56xf32, #tpu.memory_space<hbm>>
        %dma_wait3A_333 = arith.constant 0 : i32
        %dma_wait3A_334 = arith.constant 0 : i32
        %dma_wait3A_335 = tpu.memref_slice %arg6[%run_scoped3A_251, %dma_wait3A_333, %dma_wait3A_334] : memref<8x128x56xf32, #tpu.memory_space<vmem>> -> memref<1x128x56xf32, #tpu.memory_space<vmem>>
        %dma_wait3A_336 = tpu.memref_squeeze %dma_wait3A_335 : memref<1x128x56xf32, #tpu.memory_space<vmem>> -> memref<128x56xf32, #tpu.memory_space<vmem>>
        tpu.wait_dma2 semaphore(%run_scoped3A_312 : memref<!tpu.dma_semaphore, #tpu.memory_space<semaphore_mem>>) src(%dma_wait3A_336 : memref<128x56xf32, #tpu.memory_space<vmem>>) dst(%dma_wait3A_332 : memref<128x56xf32, #tpu.memory_space<hbm>>)
        tpu.yield
      }) : () -> ()
      %add3A_252 = arith.constant 8 : i32
      %add3A_253 = arith.addi %add3A_236, %add3A_252 : i32
      %lt3A_254 = arith.constant 104 : i32
      %lt3A_255 = arith.cmpi slt, %add3A_253, %lt3A_254 : i32
      %convert_element_type3A_256 = arith.extui %lt3A_255 : i1 to i32
      %cond3A_257 = arith.constant 0 : i32
      %cond3A_258 = arith.cmpi ne, %convert_element_type3A_256, %cond3A_257 : i32
      scf.if %cond3A_258 {
        %dma_start3A_312 = arith.constant 5 : i32
        %dma_start3A_313 = arith.constant 0 : i32
        %dma_start3A_314 = arith.constant 0 : i32
        %dma_start3A_315 = tpu.memref_slice %arg6[%dma_start3A_312, %dma_start3A_313, %dma_start3A_314] : memref<8x128x56xf32, #tpu.memory_space<vmem>> -> memref<1x128x56xf32, #tpu.memory_space<vmem>>
        %dma_start3A_316 = tpu.memref_squeeze %dma_start3A_315 : memref<1x128x56xf32, #tpu.memory_space<vmem>> -> memref<128x56xf32, #tpu.memory_space<vmem>>
        %dma_start3A_317 = arith.constant 0 : i32
        %dma_start3A_318 = tpu.memref_slice %arg5[%add3A_253, %dma_start3A_317] : memref<104x128xi32, #tpu.memory_space<vmem>> -> memref<1x128xi32, #tpu.memory_space<vmem>>
        %dma_start3A_319 = tpu.memref_squeeze %dma_start3A_318 : memref<1x128xi32, #tpu.memory_space<vmem>> -> memref<128xi32, #tpu.memory_space<vmem>>
        %dma_start3A_320 = arith.constant 0 : i32
        %dma_start3A_321 = arith.constant 0 : i32
        %dma_start3A_322 = tpu.memref_slice %arg3[%dma_start3A_320, %dma_start3A_321] : memref<2600000x56xf32, #tpu.memory_space<hbm>> -> memref<2600000x56xf32, #tpu.memory_space<hbm>>
        tpu.enqueue_indirect_dma source(%dma_start3A_322 : memref<2600000x56xf32, #tpu.memory_space<hbm>>) target(%dma_start3A_316 : memref<128x56xf32, #tpu.memory_space<vmem>>) offsets(%dma_start3A_319 : memref<128xi32, #tpu.memory_space<vmem>>) semaphore(%arg12 : memref<!tpu.dma_semaphore, #tpu.memory_space<semaphore_mem>>)
      } else {
      }
      %mul3A_259 = arith.constant 8 : i32
      %mul3A_260 = arith.muli %scan3A_106, %mul3A_259 : i32
      %add3A_261 = arith.constant 6 : i32
      %add3A_262 = arith.addi %mul3A_260, %add3A_261 : i32
      %dma_wait3A_263 = arith.constant 6 : i32
      %dma_wait3A_264 = arith.constant 0 : i32
      %dma_wait3A_265 = arith.constant 0 : i32
      %dma_wait3A_266 = tpu.memref_slice %arg6[%dma_wait3A_263, %dma_wait3A_264, %dma_wait3A_265] : memref<8x128x56xf32, #tpu.memory_space<vmem>> -> memref<1x128x56xf32, #tpu.memory_space<vmem>>
      %dma_wait3A_267 = tpu.memref_squeeze %dma_wait3A_266 : memref<1x128x56xf32, #tpu.memory_space<vmem>> -> memref<128x56xf32, #tpu.memory_space<vmem>>
      %dma_wait3A_268 = arith.constant 0 : i32
      %dma_wait3A_269 = tpu.memref_slice %arg5[%add3A_262, %dma_wait3A_268] : memref<104x128xi32, #tpu.memory_space<vmem>> -> memref<1x128xi32, #tpu.memory_space<vmem>>
      %dma_wait3A_270 = tpu.memref_squeeze %dma_wait3A_269 : memref<1x128xi32, #tpu.memory_space<vmem>> -> memref<128xi32, #tpu.memory_space<vmem>>
      %dma_wait3A_271 = arith.constant 0 : i32
      %dma_wait3A_272 = arith.constant 0 : i32
      %dma_wait3A_273 = tpu.memref_slice %arg3[%dma_wait3A_271, %dma_wait3A_272] : memref<2600000x56xf32, #tpu.memory_space<hbm>> -> memref<2600000x56xf32, #tpu.memory_space<hbm>>
      tpu.wait_indirect_dma semaphore(%arg13 : memref<!tpu.dma_semaphore, #tpu.memory_space<semaphore_mem>>) src(%dma_wait3A_273 : memref<2600000x56xf32, #tpu.memory_space<hbm>>) dst(%dma_wait3A_267 : memref<128x56xf32, #tpu.memory_space<vmem>>)
      %mul3A_274 = arith.constant 128 : i32
      %mul3A_275 = arith.muli %add3A_262, %mul3A_274 : i32
      %add3A_276 = arith.addi %mul3A_4, %mul3A_275 : i32
      %run_scoped3A_277 = arith.constant 6 : i32
      "tpu.region"() ({
        %run_scoped3A_312 = tpu.sem_alloc : memref<!tpu.dma_semaphore, #tpu.memory_space<semaphore_mem>>
        %dma_start3A_313 = arith.constant 0 : i32
        %dma_start3A_314 = arith.constant 0 : i32
        %dma_start3A_315 = tpu.memref_slice %arg6[%run_scoped3A_277, %dma_start3A_313, %dma_start3A_314] : memref<8x128x56xf32, #tpu.memory_space<vmem>> -> memref<1x128x56xf32, #tpu.memory_space<vmem>>
        %dma_start3A_316 = tpu.memref_squeeze %dma_start3A_315 : memref<1x128x56xf32, #tpu.memory_space<vmem>> -> memref<128x56xf32, #tpu.memory_space<vmem>>
        %dma_start3A_317 = arith.constant 0 : i32
        %dma_start3A_318 = tpu.memref_slice %arg4[%add3A_276, %dma_start3A_317] : memref<425984x56xf32, #tpu.memory_space<hbm>> -> memref<128x56xf32, #tpu.memory_space<hbm>>
        %dma_start3A_319 = arith.constant 0 : i32
        %dma_start3A_320 = tpu.memref_slice %arg4[%add3A_276, %dma_start3A_319] : memref<425984x56xf32, #tpu.memory_space<hbm>> -> memref<128x56xf32, #tpu.memory_space<hbm>>
        %dma_start3A_321 = arith.constant 0 : i32
        %dma_start3A_322 = arith.constant 0 : i32
        %dma_start3A_323 = tpu.memref_slice %arg6[%run_scoped3A_277, %dma_start3A_321, %dma_start3A_322] : memref<8x128x56xf32, #tpu.memory_space<vmem>> -> memref<1x128x56xf32, #tpu.memory_space<vmem>>
        %dma_start3A_324 = tpu.memref_squeeze %dma_start3A_323 : memref<1x128x56xf32, #tpu.memory_space<vmem>> -> memref<128x56xf32, #tpu.memory_space<vmem>>
        tpu.enqueue_dma source(%dma_start3A_324 : memref<128x56xf32, #tpu.memory_space<vmem>>) target(%dma_start3A_320 : memref<128x56xf32, #tpu.memory_space<hbm>>) target_semaphore(%run_scoped3A_312 : memref<!tpu.dma_semaphore, #tpu.memory_space<semaphore_mem>>)
        %dma_wait3A_325 = arith.constant 0 : i32
        %dma_wait3A_326 = arith.constant 0 : i32
        %dma_wait3A_327 = tpu.memref_slice %arg6[%run_scoped3A_277, %dma_wait3A_325, %dma_wait3A_326] : memref<8x128x56xf32, #tpu.memory_space<vmem>> -> memref<1x128x56xf32, #tpu.memory_space<vmem>>
        %dma_wait3A_328 = tpu.memref_squeeze %dma_wait3A_327 : memref<1x128x56xf32, #tpu.memory_space<vmem>> -> memref<128x56xf32, #tpu.memory_space<vmem>>
        %dma_wait3A_329 = arith.constant 0 : i32
        %dma_wait3A_330 = tpu.memref_slice %arg4[%add3A_276, %dma_wait3A_329] : memref<425984x56xf32, #tpu.memory_space<hbm>> -> memref<128x56xf32, #tpu.memory_space<hbm>>
        %dma_wait3A_331 = arith.constant 0 : i32
        %dma_wait3A_332 = tpu.memref_slice %arg4[%add3A_276, %dma_wait3A_331] : memref<425984x56xf32, #tpu.memory_space<hbm>> -> memref<128x56xf32, #tpu.memory_space<hbm>>
        %dma_wait3A_333 = arith.constant 0 : i32
        %dma_wait3A_334 = arith.constant 0 : i32
        %dma_wait3A_335 = tpu.memref_slice %arg6[%run_scoped3A_277, %dma_wait3A_333, %dma_wait3A_334] : memref<8x128x56xf32, #tpu.memory_space<vmem>> -> memref<1x128x56xf32, #tpu.memory_space<vmem>>
        %dma_wait3A_336 = tpu.memref_squeeze %dma_wait3A_335 : memref<1x128x56xf32, #tpu.memory_space<vmem>> -> memref<128x56xf32, #tpu.memory_space<vmem>>
        tpu.wait_dma2 semaphore(%run_scoped3A_312 : memref<!tpu.dma_semaphore, #tpu.memory_space<semaphore_mem>>) src(%dma_wait3A_336 : memref<128x56xf32, #tpu.memory_space<vmem>>) dst(%dma_wait3A_332 : memref<128x56xf32, #tpu.memory_space<hbm>>)
        tpu.yield
      }) : () -> ()
      %add3A_278 = arith.constant 8 : i32
      %add3A_279 = arith.addi %add3A_262, %add3A_278 : i32
      %lt3A_280 = arith.constant 104 : i32
      %lt3A_281 = arith.cmpi slt, %add3A_279, %lt3A_280 : i32
      %convert_element_type3A_282 = arith.extui %lt3A_281 : i1 to i32
      %cond3A_283 = arith.constant 0 : i32
      %cond3A_284 = arith.cmpi ne, %convert_element_type3A_282, %cond3A_283 : i32
      scf.if %cond3A_284 {
        %dma_start3A_312 = arith.constant 6 : i32
        %dma_start3A_313 = arith.constant 0 : i32
        %dma_start3A_314 = arith.constant 0 : i32
        %dma_start3A_315 = tpu.memref_slice %arg6[%dma_start3A_312, %dma_start3A_313, %dma_start3A_314] : memref<8x128x56xf32, #tpu.memory_space<vmem>> -> memref<1x128x56xf32, #tpu.memory_space<vmem>>
        %dma_start3A_316 = tpu.memref_squeeze %dma_start3A_315 : memref<1x128x56xf32, #tpu.memory_space<vmem>> -> memref<128x56xf32, #tpu.memory_space<vmem>>
        %dma_start3A_317 = arith.constant 0 : i32
        %dma_start3A_318 = tpu.memref_slice %arg5[%add3A_279, %dma_start3A_317] : memref<104x128xi32, #tpu.memory_space<vmem>> -> memref<1x128xi32, #tpu.memory_space<vmem>>
        %dma_start3A_319 = tpu.memref_squeeze %dma_start3A_318 : memref<1x128xi32, #tpu.memory_space<vmem>> -> memref<128xi32, #tpu.memory_space<vmem>>
        %dma_start3A_320 = arith.constant 0 : i32
        %dma_start3A_321 = arith.constant 0 : i32
        %dma_start3A_322 = tpu.memref_slice %arg3[%dma_start3A_320, %dma_start3A_321] : memref<2600000x56xf32, #tpu.memory_space<hbm>> -> memref<2600000x56xf32, #tpu.memory_space<hbm>>
        tpu.enqueue_indirect_dma source(%dma_start3A_322 : memref<2600000x56xf32, #tpu.memory_space<hbm>>) target(%dma_start3A_316 : memref<128x56xf32, #tpu.memory_space<vmem>>) offsets(%dma_start3A_319 : memref<128xi32, #tpu.memory_space<vmem>>) semaphore(%arg13 : memref<!tpu.dma_semaphore, #tpu.memory_space<semaphore_mem>>)
      } else {
      }
      %mul3A_285 = arith.constant 8 : i32
      %mul3A_286 = arith.muli %scan3A_106, %mul3A_285 : i32
      %add3A_287 = arith.constant 7 : i32
      %add3A_288 = arith.addi %mul3A_286, %add3A_287 : i32
      %dma_wait3A_289 = arith.constant 7 : i32
      %dma_wait3A_290 = arith.constant 0 : i32
      %dma_wait3A_291 = arith.constant 0 : i32
      %dma_wait3A_292 = tpu.memref_slice %arg6[%dma_wait3A_289, %dma_wait3A_290, %dma_wait3A_291] : memref<8x128x56xf32, #tpu.memory_space<vmem>> -> memref<1x128x56xf32, #tpu.memory_space<vmem>>
      %dma_wait3A_293 = tpu.memref_squeeze %dma_wait3A_292 : memref<1x128x56xf32, #tpu.memory_space<vmem>> -> memref<128x56xf32, #tpu.memory_space<vmem>>
      %dma_wait3A_294 = arith.constant 0 : i32
      %dma_wait3A_295 = tpu.memref_slice %arg5[%add3A_288, %dma_wait3A_294] : memref<104x128xi32, #tpu.memory_space<vmem>> -> memref<1x128xi32, #tpu.memory_space<vmem>>
      %dma_wait3A_296 = tpu.memref_squeeze %dma_wait3A_295 : memref<1x128xi32, #tpu.memory_space<vmem>> -> memref<128xi32, #tpu.memory_space<vmem>>
      %dma_wait3A_297 = arith.constant 0 : i32
      %dma_wait3A_298 = arith.constant 0 : i32
      %dma_wait3A_299 = tpu.memref_slice %arg3[%dma_wait3A_297, %dma_wait3A_298] : memref<2600000x56xf32, #tpu.memory_space<hbm>> -> memref<2600000x56xf32, #tpu.memory_space<hbm>>
      tpu.wait_indirect_dma semaphore(%arg14 : memref<!tpu.dma_semaphore, #tpu.memory_space<semaphore_mem>>) src(%dma_wait3A_299 : memref<2600000x56xf32, #tpu.memory_space<hbm>>) dst(%dma_wait3A_293 : memref<128x56xf32, #tpu.memory_space<vmem>>)
      %mul3A_300 = arith.constant 128 : i32
      %mul3A_301 = arith.muli %add3A_288, %mul3A_300 : i32
      %add3A_302 = arith.addi %mul3A_4, %mul3A_301 : i32
      %run_scoped3A_303 = arith.constant 7 : i32
      "tpu.region"() ({
        %run_scoped3A_312 = tpu.sem_alloc : memref<!tpu.dma_semaphore, #tpu.memory_space<semaphore_mem>>
        %dma_start3A_313 = arith.constant 0 : i32
        %dma_start3A_314 = arith.constant 0 : i32
        %dma_start3A_315 = tpu.memref_slice %arg6[%run_scoped3A_303, %dma_start3A_313, %dma_start3A_314] : memref<8x128x56xf32, #tpu.memory_space<vmem>> -> memref<1x128x56xf32, #tpu.memory_space<vmem>>
        %dma_start3A_316 = tpu.memref_squeeze %dma_start3A_315 : memref<1x128x56xf32, #tpu.memory_space<vmem>> -> memref<128x56xf32, #tpu.memory_space<vmem>>
        %dma_start3A_317 = arith.constant 0 : i32
        %dma_start3A_318 = tpu.memref_slice %arg4[%add3A_302, %dma_start3A_317] : memref<425984x56xf32, #tpu.memory_space<hbm>> -> memref<128x56xf32, #tpu.memory_space<hbm>>
        %dma_start3A_319 = arith.constant 0 : i32
        %dma_start3A_320 = tpu.memref_slice %arg4[%add3A_302, %dma_start3A_319] : memref<425984x56xf32, #tpu.memory_space<hbm>> -> memref<128x56xf32, #tpu.memory_space<hbm>>
        %dma_start3A_321 = arith.constant 0 : i32
        %dma_start3A_322 = arith.constant 0 : i32
        %dma_start3A_323 = tpu.memref_slice %arg6[%run_scoped3A_303, %dma_start3A_321, %dma_start3A_322] : memref<8x128x56xf32, #tpu.memory_space<vmem>> -> memref<1x128x56xf32, #tpu.memory_space<vmem>>
        %dma_start3A_324 = tpu.memref_squeeze %dma_start3A_323 : memref<1x128x56xf32, #tpu.memory_space<vmem>> -> memref<128x56xf32, #tpu.memory_space<vmem>>
        tpu.enqueue_dma source(%dma_start3A_324 : memref<128x56xf32, #tpu.memory_space<vmem>>) target(%dma_start3A_320 : memref<128x56xf32, #tpu.memory_space<hbm>>) target_semaphore(%run_scoped3A_312 : memref<!tpu.dma_semaphore, #tpu.memory_space<semaphore_mem>>)
        %dma_wait3A_325 = arith.constant 0 : i32
        %dma_wait3A_326 = arith.constant 0 : i32
        %dma_wait3A_327 = tpu.memref_slice %arg6[%run_scoped3A_303, %dma_wait3A_325, %dma_wait3A_326] : memref<8x128x56xf32, #tpu.memory_space<vmem>> -> memref<1x128x56xf32, #tpu.memory_space<vmem>>
        %dma_wait3A_328 = tpu.memref_squeeze %dma_wait3A_327 : memref<1x128x56xf32, #tpu.memory_space<vmem>> -> memref<128x56xf32, #tpu.memory_space<vmem>>
        %dma_wait3A_329 = arith.constant 0 : i32
        %dma_wait3A_330 = tpu.memref_slice %arg4[%add3A_302, %dma_wait3A_329] : memref<425984x56xf32, #tpu.memory_space<hbm>> -> memref<128x56xf32, #tpu.memory_space<hbm>>
        %dma_wait3A_331 = arith.constant 0 : i32
        %dma_wait3A_332 = tpu.memref_slice %arg4[%add3A_302, %dma_wait3A_331] : memref<425984x56xf32, #tpu.memory_space<hbm>> -> memref<128x56xf32, #tpu.memory_space<hbm>>
        %dma_wait3A_333 = arith.constant 0 : i32
        %dma_wait3A_334 = arith.constant 0 : i32
        %dma_wait3A_335 = tpu.memref_slice %arg6[%run_scoped3A_303, %dma_wait3A_333, %dma_wait3A_334] : memref<8x128x56xf32, #tpu.memory_space<vmem>> -> memref<1x128x56xf32, #tpu.memory_space<vmem>>
        %dma_wait3A_336 = tpu.memref_squeeze %dma_wait3A_335 : memref<1x128x56xf32, #tpu.memory_space<vmem>> -> memref<128x56xf32, #tpu.memory_space<vmem>>
        tpu.wait_dma2 semaphore(%run_scoped3A_312 : memref<!tpu.dma_semaphore, #tpu.memory_space<semaphore_mem>>) src(%dma_wait3A_336 : memref<128x56xf32, #tpu.memory_space<vmem>>) dst(%dma_wait3A_332 : memref<128x56xf32, #tpu.memory_space<hbm>>)
        tpu.yield
      }) : () -> ()
      %add3A_304 = arith.constant 8 : i32
      %add3A_305 = arith.addi %add3A_288, %add3A_304 : i32
      %lt3A_306 = arith.constant 104 : i32
      %lt3A_307 = arith.cmpi slt, %add3A_305, %lt3A_306 : i32
      %convert_element_type3A_308 = arith.extui %lt3A_307 : i1 to i32
      %cond3A_309 = arith.constant 0 : i32
      %cond3A_310 = arith.cmpi ne, %convert_element_type3A_308, %cond3A_309 : i32
      scf.if %cond3A_310 {
        %dma_start3A_312 = arith.constant 7 : i32
        %dma_start3A_313 = arith.constant 0 : i32
        %dma_start3A_314 = arith.constant 0 : i32
        %dma_start3A_315 = tpu.memref_slice %arg6[%dma_start3A_312, %dma_start3A_313, %dma_start3A_314] : memref<8x128x56xf32, #tpu.memory_space<vmem>> -> memref<1x128x56xf32, #tpu.memory_space<vmem>>
        %dma_start3A_316 = tpu.memref_squeeze %dma_start3A_315 : memref<1x128x56xf32, #tpu.memory_space<vmem>> -> memref<128x56xf32, #tpu.memory_space<vmem>>
        %dma_start3A_317 = arith.constant 0 : i32
        %dma_start3A_318 = tpu.memref_slice %arg5[%add3A_305, %dma_start3A_317] : memref<104x128xi32, #tpu.memory_space<vmem>> -> memref<1x128xi32, #tpu.memory_space<vmem>>
        %dma_start3A_319 = tpu.memref_squeeze %dma_start3A_318 : memref<1x128xi32, #tpu.memory_space<vmem>> -> memref<128xi32, #tpu.memory_space<vmem>>
        %dma_start3A_320 = arith.constant 0 : i32
        %dma_start3A_321 = arith.constant 0 : i32
        %dma_start3A_322 = tpu.memref_slice %arg3[%dma_start3A_320, %dma_start3A_321] : memref<2600000x56xf32, #tpu.memory_space<hbm>> -> memref<2600000x56xf32, #tpu.memory_space<hbm>>
        tpu.enqueue_indirect_dma source(%dma_start3A_322 : memref<2600000x56xf32, #tpu.memory_space<hbm>>) target(%dma_start3A_316 : memref<128x56xf32, #tpu.memory_space<vmem>>) offsets(%dma_start3A_319 : memref<128xi32, #tpu.memory_space<vmem>>) semaphore(%arg14 : memref<!tpu.dma_semaphore, #tpu.memory_space<semaphore_mem>>)
      } else {
      }
      %scan3A_311 = arith.constant 0 : i32
      scf.yield %scan3A_311 : i32
    }
    %scan3A_105 = arith.constant 13 : i32
    return
  }
}

</mosaic_0001>

<sc_bundles>
// kernel: _sc_gather.3.cloned.1.call-start
scs
__scs_entry_jumppad:
0x0: {  	(pc) =	sbr.rel $0x88, $3  }
0x1: {  	(tag) =	ssettag $0x0;
	lr =	simm.s32 $0x1  }
0x2: {  	[smem:$0x3F9F] =	sst lr;
	_ =	strace $0xD0000000  }
0x3: {  	_ = 	snop  }
0x4: {  	_ = 	snop  }
0x5: {  	_ = 	snop  }
0x6: {  	_ = 	snop  }
0x7: {  	_ = 	snop  }
__scs_overlays_trampoline_lowered:
0x8: {  	[smem:$0x3FAE] =	sst s0  }
0x9: {  	[smem:$0x3FAF] =	sst s1  }
0xa: {  	[smem:$0x3FB0] =	sst s2  }
0xb: {  	[smem:$0x3FB1] =	sst s3  }
0xc: {  	[smem:$0x3FB2] =	sst s4  }
0xd: {  	[smem:$0x3FB3] =	sst s5  }
0xe: {  	[smem:$0x3FB4] =	sst s6  }
0xf: {  	[smem:$0x3FB5] =	sst s7  }
0x10: {  	[smem:$0x3FB6] =	sst s8  }
0x11: {  	[smem:$0x3FB7] =	sst s9;
	s0 =	simm.s32 @!p0 $0x0  }
0x12: {  	s1 =	sld [smem:$0x3F9D];
	s0 =	simm.s32 @p0 $0x1  }
0x13: {  	[smem:$0x3FB8] =	sst s0;
	s0 =	simm.s32 @!p1 $0x0  }
0x14: {  	s2 =	sld [smem:$0x3F9C];
	s0 =	simm.s32 @p1 $0x1  }
0x15: {  	[smem:$0x3FB9] =	sst s0;
	s0 =	simm.s32 @!p2 $0x0  }
0x16: {  	s3 =	sld [smem:$0x3FDB];
	s0 =	simm.s32 @p2 $0x1  }
0x17: {  	s4 =	simm.s32 $0x1BF5;
	[smem:$0x3FBB] =	sst s0  }
0x18: {  	s0 =	sld [smem:$0x3F9E];
	_ =	swait.ge [sflag:s4], $0x0  }
0x19: {  	s7 =	sld [smem:$0x3F9F]  }
0x1a: {  	s8 =	sadd.s32 $0xFFFFE003, lr  }
0x1b: {  	s9 =	sadd.s32 $0xFFFFFEF7, lr;
	s5 =	simm.s32 $0xFFFFFFFF;
	p2 =	slt.u32 s8, $0xFFFFF086  }
0x1c: {  	p1 =	slt.u32 s9, $0xF7A;
	s5 =	simm.s32 @!p2 $0x0  }
0x1d: {  	s5 =	simm.s32 @p1 $0x1;
	p0 =	seq.s32 s7, s2  }
0x1e: {  	s7 =	smul.u32 @!p0 $0xF7A, s2;
	p2 =	seq.s32 @!p0 s5, $0x0  }
0x1f: {  	s9 =	smul.u32 $0xF7A, s1;
	s8 =	simm.s32 @!p0 $0x1BF5;
	p2 =	por !p2, p0  }
0x20: {  	[sflag:s8] =	ssyncset.s32 @!p0 $0xFFFFF086;
	s6 =	sadd.s32 @!p0 s3, s7;
	s7 =	simm.s32 @!p0 $0x108  }
0x21: {  	s3 =	sadd.s32 s3, s9;
	s6 =	sadd.s32 @!p0 $0x88, s6;
	s7 =	simm.s32 @p2 $0x1082  }
0x22: {  	[simem:s7], [sflag:s8] =	dma.local @!p0 [hbm:s6], $0xF7A  }
0x23: {  	s9 =	sor.u32 $0xD0000000, s2;
	s6 =	simm.s32 $0x108;
	_ =	swait.ge @!p0 [sflag:s8], $0x0  }
0x24: {  	s3 =	sadd.s32 $0x88, s3;
	s6 =	simm.s32 @!p1 $0x1082;
	[sflag:s4] =	ssyncset.s32 $0xFFFFF086  }
0x25: {  	[simem:s6], [sflag:s4] =	dma.local [hbm:s3], $0xF7A  }
0x26: {  	[smem:$0x3F9F] =	sst s1;
	(tag) =	ssettag s2;
	_ =	strace s9  }
0x27: {  	s1 =	sld [smem:$0x3FAF]  }
0x28: {  	s2 =	sld [smem:$0x3FB0]  }
0x29: {  	s4 =	sld [smem:$0x3FB2]  }
0x2a: {  	p0 =	seq.s32 s5, $0x0;
	s5 =	sld [smem:$0x3FB3]  }
0x2b: {  	s6 =	sld [smem:$0x3FB4]  }
0x2c: {  	s7 =	sld [smem:$0x3FB5]  }
0x2d: {  	s3 =	simm.s32 $0x108;
	s8 =	sld [smem:$0x3FB6]  }
0x2e: {  	s3 =	simm.s32 @!p0 $0x1082;
	s9 =	sld [smem:$0x3FB7]  }
0x2f: {  	lr =	sadd.s32 s0, s3;
	s0 =	sld [smem:$0x3FAE]  }
0x30: {  	s3 =	sld [smem:$0x3FB1]  }
0x31: {  	[smem:$0x3FBA] =	sst s10  }
0x32: {  	s10 =	sld [smem:$0x3FB8];
	_ =	sdelay $0x3  }
0x33: {  	p0 =	seq.s32 s10, $0x1;
	s10 =	sld [smem:$0x3FBA];
	_ =	sdelay $0x3  }
0x34: {  	[smem:$0x3FBA] =	sst s10  }
0x35: {  	s10 =	sld [smem:$0x3FB9];
	_ =	sdelay $0x3  }
0x36: {  	p1 =	seq.s32 s10, $0x1;
	s10 =	sld [smem:$0x3FBA];
	_ =	sdelay $0x3  }
0x37: {  	[smem:$0x3FBA] =	sst s10  }
0x38: {  	s10 =	sld [smem:$0x3FBB]  }
0x39: {  	_ = 	snop;
	(pc) =	sbr.ind lr, $3  }
0x3a: {  	_ = 	snop  }
0x3b: {  	_ = 	snop  }
0x3c: {  	p2 =	seq.s32 s10, $0x1;
	s10 =	sld [smem:$0x3FBA]  }
0x3d: {  	_ =	shalt  }
0x3e: {  	_ =	shalt  }
0x3f: {  	_ =	shalt  }
0x40: {  	_ =	shalt  }
0x41: {  	_ =	shalt  }
0x42: {  	_ =	shalt  }
0x43: {  	_ =	shalt  }
0x44: {  	_ =	shalt  }
0x45: {  	_ =	shalt  }
0x46: {  	_ =	shalt  }
0x47: {  	_ =	shalt  }
0x48: {  	_ =	shalt  }
0x49: {  	_ =	shalt  }
0x4a: {  	_ =	shalt  }
0x4b: {  	_ =	shalt  }
0x4c: {  	_ =	shalt  }
0x4d: {  	_ =	shalt  }
0x4e: {  	_ =	shalt  }
0x4f: {  	_ =	shalt  }
0x50: {  	_ =	shalt  }
0x51: {  	_ =	shalt  }
0x52: {  	_ =	shalt  }
0x53: {  	_ =	shalt  }
0x54: {  	_ =	shalt  }
0x55: {  	_ =	shalt  }
0x56: {  	_ =	shalt  }
0x57: {  	_ =	shalt  }
0x58: {  	_ =	shalt  }
0x59: {  	_ =	shalt  }
0x5a: {  	_ =	shalt  }
0x5b: {  	_ =	shalt  }
0x5c: {  	_ =	shalt  }
0x5d: {  	_ =	shalt  }
0x5e: {  	_ =	shalt  }
0x5f: {  	_ =	shalt  }
0x60: {  	_ =	shalt  }
0x61: {  	_ =	shalt  }
0x62: {  	_ =	shalt  }
0x63: {  	_ =	shalt  }
0x64: {  	_ =	shalt  }
0x65: {  	_ =	shalt  }
0x66: {  	_ =	shalt  }
0x67: {  	_ =	shalt  }
0x68: {  	_ =	shalt  }
0x69: {  	_ =	shalt  }
0x6a: {  	_ =	shalt  }
0x6b: {  	_ =	shalt  }
0x6c: {  	_ =	shalt  }
0x6d: {  	_ =	shalt  }
0x6e: {  	_ =	shalt  }
0x6f: {  	_ =	shalt  }
0x70: {  	_ =	shalt  }
0x71: {  	_ =	shalt  }
0x72: {  	_ =	shalt  }
0x73: {  	_ =	shalt  }
0x74: {  	_ =	shalt  }
0x75: {  	_ =	shalt  }
0x76: {  	_ =	shalt  }
0x77: {  	_ =	shalt  }
0x78: {  	_ =	shalt  }
0x79: {  	_ =	shalt  }
0x7a: {  	_ =	shalt  }
0x7b: {  	_ =	shalt  }
0x7c: {  	_ =	shalt  }
0x7d: {  	_ =	shalt  }
0x7e: {  	_ =	shalt  }
0x7f: {  	_ =	shalt  }
0x80: {  	_ =	shalt  }
0x81: {  	_ =	shalt  }
0x82: {  	_ =	shalt  }
0x83: {  	_ =	shalt  }
0x84: {  	_ =	shalt  }
0x85: {  	_ =	shalt  }
0x86: {  	_ =	shalt  }
0x87: {  	_ =	shalt  }
.Lfunc_end0:
.L_simem_size_0:
called_computation.1_lowered:
.L_overlay_start_0:
0x88: {  	s2 =	sld [smem:$0x3FD9]  }
0x89: {  	s3 =	sld [smem:$0x3FFE];
	_ =	sdelay $0x1  }
0x8a: {  	s1 =	srdreg.scid  }
0x8b: {  	s0 =	sand.u32 $0x1, s1  }
0x8c: {  	s17 =	sshll.u32 s0, $0xA;
	s2 =	sadd.s32 s3, s2  }
0x8d: {  	s2 =	sadd.s32 s2, s17  }
0x8e: {  	[smem:$0x3FC6] =	sst s2  }
0x8f: {  	_ = 	snop  }
0x90: {  	s2 =	sld [smem:$0x3FC9]  }
0x91: {  	s18 =	sld [smem:$0x3FD0];
	(tm) =	ssettm $0x1  }
0x92: {  	s4 =	sld [smem:$0x3FFB];
	_ =	sdelay $0x3  }
0x93: {  	_ =	strace s4  }
0x94: {  	s4 =	sld [smem:$0x3FFC];
	_ =	sdelay $0x3  }
0x95: {  	_ =	strace s4  }
0x96: {  	s4 =	sld [smem:$0x3FFD];
	_ =	sdelay $0x3  }
0x97: {  	_ =	strace s4  }
0x98: {  	_ =	strace $0x8FFFFFFF  }
0x99: {  	s19 =	sld [smem:$0x3FDB];
	_ =	sdelay $0x1  }
0x9a: {  	s5 =	simm.s32 $_scs_section_size  }
0x9b: {  	s6 =	simm.s32 $_size__tile_overlayer_lowered;
	s7 =	simm.s32 $_tile_overlayer_lowered  }
0x9c: {  	s22 =	simm.s32 $0x1BFF;
	s21 =	sshll.u32 s7, $0x1;
	s4 =	sadd.s32 s5, s19  }
0x9d: {  	s8 =	simm.s32 $0x0;
	s20 =	sshll.u32 s6, $0x1;
	s6 =	sadd.s32 s21, s4  }
0x9e: {  	[timem:s8], [sflag:s22] =	dma.local [hbm:s6], s20  }
0x9f: {  	_ =	swait.ge [sflag:s22], s20  }
0xa0: {  	s5 =	ssub.s32 $0x0, s20;
	[sflag:s22] =	ssyncset.done $0x0  }
0xa1: {  	[sflag:s22] =	ssyncadd.s32 s5;
	_ =	sdelay $0x1  }
0xa2: {  	s23 =	simm.s32 $0x1B8B  }
0xa3: {  	_ =	swait.ge [sflag:s23], $0x1  }
0xa4: {  	[sflag:s23] =	ssyncset.done $0x0  }
0xa5: {  	s25 =	simm.s32 $0x1B8E;
	s24 =	sld [smem:$0x3FFE];
	[sflag:s23] =	ssyncadd.s32 $0xFFFFFFFF  }
0xa6: {  	s26 =	simm.s32 $execute0_lowered;
	[smem:$0x3FD2] =	sst s25  }
0xa7: {  	s6 =	sshll.u32 s26, $0x1;
	_ =	strace $0x80000046;
	[dreg:$0x1] =	wrdreg $0xFFFFFFFF  }
0xa8: {  	s28 =	simm.s32 $_size_execute0_lowered;
	s4 =	sadd.s32 s4, s6;
	[dreg:$0x0] =	wrdreg $0x0  }
0xa9: {  	s6 =	sshll.u32 s28, $0x1;
	[dreg:$0x2] =	wrdreg s4  }
0xaa: {  	[dreg:$0x3] =	wrdreg s6  }
0xab: {  	[dreg:$0x4] =	wrdreg $0xC0  }
0xac: {  	_ =	task [dreg:s8], $0x5FFFF  }
0xad: {  	[dreg:$0x1] =	wrdreg $0xFFFFFFFF  }
0xae: {  	[dreg:$0x0] =	wrdreg $0x60  }
0xaf: {  	[dreg:$0x2] =	wrdreg s2  }
0xb0: {  	[dreg:$0x3] =	wrdreg s24  }
0xb1: {  	[dreg:$0x4] =	wrdreg s18  }
0xb2: {  	[dreg:$0x5] =	wrdreg $0x9  }
0xb3: {  	_ =	task.clear_ibuf [dreg:s8], $0x6FFFF;
	_ =	strace $0x90000046  }
0xb4: {  	s29 =	simm.s32 $0x9;
	_ =	strace $0x80000048  }
0xb5: {  	_ =	swait.ge [sflag:s29], $0x1  }
0xb6: {  	[sflag:s29] =	ssyncadd.s32 $0xFFFFFFFF  }
0xb7: {  	_ =	strace $0x90000048  }
0xb8: {  	_ =	sfence  }
0xb9: {  	s30 =	sld [smem:$0x0];
	_ =	sdelay $0x2  }
0xba: {  	s31 =	sshll.u32 s1, $0xD;
	s1 =	sshrl.u32 s1, $0x2  }
0xbb: {  	s3 =	sand.u32 $0x4000, s31;
	s1 =	sadd.s32 s1, s30  }
0xbc: {  	s0 =	sor.u32 s3, s0;
	s1 =	sshll.u32 s1, $0x11  }
0xbd: {  	s0 =	sor.u32 s1, s0  }
0xbe: {  	s0 =	sadd.s32 $0x8F2B, s0  }
0xbf: {  	[sflag:s0] =	ssyncadd.remote.s32 $0x1  }
0xc0: {  	_ =	sfence.sel $0xFFFF  }
0xc1: {  	[dreg:$0x0] =	wrdreg $0xFFFFFFFF;
	(pc) =	sbr.abs _section_cstart, $3  }
0xc2: {  	[dreg:$0x1] =	wrdreg $0xFFFFFFFF  }
0xc3: {  	_ =	task.clear_ibuf [dreg:s8], $0x2FFFF;
	_ =	strace $0x9FFFFFFF  }
0xc4: {  	(tm) =	ssettm $0x7FFFFFFF  }
0xc5: {  	_ =	shalt  }
tec
execute0_lowered:
.L_overlay_start_1:
0x0: {  	(tag) =	ssettag $0x1  }
0x1: {  	s0 =	rddreg [dreg:$0x0]  }
0x2: {  	s1 =	rddreg [dreg:$0x1]  }
0x3: {  	s2 =	srdreg.scid;
	s8 =	stileid.u32  }
0x4: {  	s5 =	rddreg [dreg:$0x2];
	s10 =	simm.s32 $0x5000;
	s12 =	simm.s32 $0x6C00  }
0x5: {  	s14 =	simm.s32 $0x8800;
	s16 =	simm.s32 $0xA400;
	s18 =	simm.s32 $0xC000  }
0x6: {  	s20 =	simm.s32 $0xDC00;
	s21 =	simm.s32 $0x380;
	s22 =	simm.s32 $0xF800  }
0x7: {  	s23 =	simm.s32 $0x1;
	s24 =	simm.s32 $0x2;
	s28 =	simm.s32 $0x5  }
0x8: {  	s29 =	simm.s32 $0x6;
	s30 =	simm.s32 $0x7;
	s4 =	sand.u32 $0x1, s2  }
0x9: {  	s3 =	sshll.u32 s8, $0x1;
	s2 =	simm.s32 $0x0;
	s8 =	smul.u32 $0x2D800, s8  }
0xa: {  	s3 =	sor.u32 s4, s3;
	[smem:$0x7FF] =	sst s2;
	s9 =	smul.u32 $0x16C00, s4  }
0xb: {  	s31 =	simm.s32 $0x8;
	s6 =	smul.u32 $0x680, s3;
	_ =	strace $0x80000047  }
.Ltmp0:
0xc: {  	s7 =	ssub.s32 $0x2, s4;
	s3 =	sadd.s32 $0x27ACC00, s1;
	(pc) =	sbr.rel .LBB2_1-.Ltmp0, $4  }
0xd: {  	s25 =	sshrl.u32 s7, $0x1;
	s26 =	sadd.s32 s8, s5;
	s8 =	simm.s32 $0x80  }
0xe: {  	s1 =	ssub.s32 s7, s25;
	s7 =	simm.s32 $0x9;
	s25 =	simm.s32 $0x3  }
0xf: {  	s4 =	sadd.s32 s0, s6;
	s5 =	smax.u32 s1, $0x1;
	s6 =	sadd.s32 s9, s26  }
0x10: {  	s9 =	simm.s32 $0x3400;
	s26 =	simm.s32 $0x4;
	s1 =	simm.s32 $0x0  }
.LBB2_4:
0x11: {  	s1 =	sadd.s32 $0x1, s1  }
0x12: {  	p0 =	sne.s32 s1, s5  }
.Ltmp1:
0x13: {  	_ = 	snop;
	(pc) =	sbr.rel @!p0 .LBB2_5-.Ltmp1, $1  }
0x14: {  	_ =	sdelay $0x3  }
.LBB2_1:
0x15: {  	[tilespmem:s2], [sflag:$0x9] =	stream.linear.gather [hbm4b:s4+s2], $0x3400, $0x38;
	[tilespmem:$0x11400] =	vst v63  }
0x16: {  	_ =	swait.ge [sflag:s7], $0x3400  }
0x17: {  	[sflag:s7] =	ssyncset.done $0x0  }
0x18: {  	[sflag:s7] =	ssyncadd.s32 $0xFFFFCC00  }
0x19: {  	[tilespmem:s9], [sflag:$0x1] =	stream.indirect.gather [hbm4b:s3+s8], $0x38, s2, s8, $0xb8;
	[tilespmem:$0x11400] =	vst v63  }
0x1a: {  	_ = 	snop  }
0x1b: {  	[tilespmem:s10], [sflag:$0x2] =	stream.indirect.gather [hbm4b:s3+s8], $0x38, s8, s8, $0xb8;
	[tilespmem:$0x11400] =	vst v63  }
0x1c: {  	s0 =	simm.s32 $0x100  }
0x1d: {  	[tilespmem:s12], [sflag:$0x3] =	stream.indirect.gather [hbm4b:s3+s8], $0x38, s0, s8, $0xb8;
	[tilespmem:$0x11400] =	vst v63  }
0x1e: {  	s13 =	simm.s32 $0x180  }
0x1f: {  	[tilespmem:s14], [sflag:$0x4] =	stream.indirect.gather [hbm4b:s3+s8], $0x38, s13, s8, $0xb8;
	[tilespmem:$0x11400] =	vst v63  }
0x20: {  	s15 =	simm.s32 $0x200  }
0x21: {  	[tilespmem:s16], [sflag:$0x5] =	stream.indirect.gather [hbm4b:s3+s8], $0x38, s15, s8, $0xb8;
	[tilespmem:$0x11400] =	vst v63  }
0x22: {  	s17 =	simm.s32 $0x280  }
0x23: {  	[tilespmem:s18], [sflag:$0x6] =	stream.indirect.gather [hbm4b:s3+s8], $0x38, s17, s8, $0xb8;
	[tilespmem:$0x11400] =	vst v63  }
0x24: {  	s19 =	simm.s32 $0x300  }
0x25: {  	[tilespmem:s20], [sflag:$0x7] =	stream.indirect.gather [hbm4b:s3+s8], $0x38, s19, s8, $0xb8;
	[tilespmem:$0x11400] =	vst v63  }
0x26: {  	s11 =	simm.s32 $0x0;
	s0 =	simm.s32 $0x400  }
0x27: {  	[tilespmem:s22], [sflag:$0x8] =	stream.indirect.gather [hbm4b:s3+s8], $0x38, s21, s8, $0xb8;
	[tilespmem:$0x11400] =	vst v63  }
.LBB2_2:
0x28: {  	_ =	swait.ge [sflag:s23], $0x1C00  }
0x29: {  	[sflag:s23] =	ssyncset.done $0x0  }
0x2a: {  	s13 =	sadd.s32 s11, s6;
	[sflag:s23] =	ssyncadd.s32 $0xFFFFE400  }
0x2b: {  	[hbm4b:s13+s2] =	stream.linear.scatter [tilespmem:s9], [sflag:$0x9], $0x1C00, $0x38;
	[tilespmem:$0x11400] =	vst v63  }
0x2c: {  	_ =	swait.ge [sflag:s7], $0x1C00  }
0x2d: {  	p0 =	seq.s32 s11, $0x15000;
	[sflag:s7] =	ssyncset.done $0x0  }
0x2e: {  	s15 =	simm.s32 @!p0 $0x80;
	s17 =	simm.s32 @!p0 $0x3400;
	[sflag:s7] =	ssyncadd.s32 $0xFFFFE400  }
0x2f: {  	[tilespmem:s17], [sflag:$0x1] =	stream.indirect.gather @!p0 [hbm4b:s3+s15], $0x38, s0, s15, $0xb8;
	[tilespmem:$0x11400] =	vst v63  }
0x30: {  	_ =	swait.ge [sflag:s24], $0x1C00  }
0x31: {  	[sflag:s24] =	ssyncset.done $0x0  }
0x32: {  	s19 =	sadd.s32 $0x380, s13;
	[sflag:s24] =	ssyncadd.s32 $0xFFFFE400  }
0x33: {  	[hbm4b:s19+s2] =	stream.linear.scatter [tilespmem:s10], [sflag:$0x9], $0x1C00, $0x38;
	[tilespmem:$0x11400] =	vst v63  }
0x34: {  	_ =	swait.ge [sflag:s7], $0x1C00  }
0x35: {  	[sflag:s7] =	ssyncset.done $0x0  }
0x36: {  	s17 =	sadd.s32 @!p0 $0x80, s0;
	s19 =	simm.s32 @!p0 $0x5000;
	[sflag:s7] =	ssyncadd.s32 $0xFFFFE400  }
0x37: {  	[tilespmem:s19], [sflag:$0x2] =	stream.indirect.gather @!p0 [hbm4b:s3+s15], $0x38, s17, s15, $0xb8;
	[tilespmem:$0x11400] =	vst v63  }
0x38: {  	_ =	swait.ge [sflag:s25], $0x1C00  }
0x39: {  	[sflag:s25] =	ssyncset.done $0x0  }
0x3a: {  	s19 =	sadd.s32 $0x700, s13;
	[sflag:s25] =	ssyncadd.s32 $0xFFFFE400  }
0x3b: {  	[hbm4b:s19+s2] =	stream.linear.scatter [tilespmem:s12], [sflag:$0x9], $0x1C00, $0x38;
	[tilespmem:$0x11400] =	vst v63  }
0x3c: {  	_ =	swait.ge [sflag:s7], $0x1C00  }
0x3d: {  	[sflag:s7] =	ssyncset.done $0x0  }
0x3e: {  	s17 =	sadd.s32 @!p0 $0x100, s0;
	s19 =	simm.s32 @!p0 $0x6C00;
	[sflag:s7] =	ssyncadd.s32 $0xFFFFE400  }
0x3f: {  	[tilespmem:s19], [sflag:$0x3] =	stream.indirect.gather @!p0 [hbm4b:s3+s15], $0x38, s17, s15, $0xb8;
	[tilespmem:$0x11400] =	vst v63  }
0x40: {  	_ =	swait.ge [sflag:s26], $0x1C00  }
0x41: {  	[sflag:s26] =	ssyncset.done $0x0  }
0x42: {  	s19 =	sadd.s32 $0xA80, s13;
	[sflag:s26] =	ssyncadd.s32 $0xFFFFE400  }
0x43: {  	[hbm4b:s19+s2] =	stream.linear.scatter [tilespmem:s14], [sflag:$0x9], $0x1C00, $0x38;
	[tilespmem:$0x11400] =	vst v63  }
0x44: {  	_ =	swait.ge [sflag:s7], $0x1C00  }
0x45: {  	[sflag:s7] =	ssyncset.done $0x0  }
0x46: {  	s17 =	sadd.s32 @!p0 $0x180, s0;
	s19 =	simm.s32 @!p0 $0x8800;
	[sflag:s7] =	ssyncadd.s32 $0xFFFFE400  }
0x47: {  	[tilespmem:s19], [sflag:$0x4] =	stream.indirect.gather @!p0 [hbm4b:s3+s15], $0x38, s17, s15, $0xb8;
	[tilespmem:$0x11400] =	vst v63  }
0x48: {  	_ =	swait.ge [sflag:s28], $0x1C00  }
0x49: {  	[sflag:s28] =	ssyncset.done $0x0  }
0x4a: {  	s19 =	sadd.s32 $0xE00, s13;
	[sflag:s28] =	ssyncadd.s32 $0xFFFFE400  }
0x4b: {  	[hbm4b:s19+s2] =	stream.linear.scatter [tilespmem:s16], [sflag:$0x9], $0x1C00, $0x38;
	[tilespmem:$0x11400] =	vst v63  }
0x4c: {  	_ =	swait.ge [sflag:s7], $0x1C00  }
0x4d: {  	[sflag:s7] =	ssyncset.done $0x0  }
0x4e: {  	s17 =	sadd.s32 @!p0 $0x200, s0;
	s19 =	simm.s32 @!p0 $0xA400;
	[sflag:s7] =	ssyncadd.s32 $0xFFFFE400  }
0x4f: {  	[tilespmem:s19], [sflag:$0x5] =	stream.indirect.gather @!p0 [hbm4b:s3+s15], $0x38, s17, s15, $0xb8;
	[tilespmem:$0x11400] =	vst v63  }
0x50: {  	_ =	swait.ge [sflag:s29], $0x1C00  }
0x51: {  	[sflag:s29] =	ssyncset.done $0x0  }
0x52: {  	s19 =	sadd.s32 $0x1180, s13;
	[sflag:s29] =	ssyncadd.s32 $0xFFFFE400  }
0x53: {  	[hbm4b:s19+s2] =	stream.linear.scatter [tilespmem:s18], [sflag:$0x9], $0x1C00, $0x38;
	[tilespmem:$0x11400] =	vst v63  }
0x54: {  	_ =	swait.ge [sflag:s7], $0x1C00  }
0x55: {  	[sflag:s7] =	ssyncset.done $0x0  }
0x56: {  	s17 =	sadd.s32 @!p0 $0x280, s0;
	s19 =	simm.s32 @!p0 $0xC000;
	[sflag:s7] =	ssyncadd.s32 $0xFFFFE400  }
0x57: {  	[tilespmem:s19], [sflag:$0x6] =	stream.indirect.gather @!p0 [hbm4b:s3+s15], $0x38, s17, s15, $0xb8;
	[tilespmem:$0x11400] =	vst v63  }
0x58: {  	_ =	swait.ge [sflag:s30], $0x1C00  }
0x59: {  	[sflag:s30] =	ssyncset.done $0x0  }
0x5a: {  	s19 =	sadd.s32 $0x1500, s13;
	[sflag:s30] =	ssyncadd.s32 $0xFFFFE400  }
0x5b: {  	[hbm4b:s19+s2] =	stream.linear.scatter [tilespmem:s20], [sflag:$0x9], $0x1C00, $0x38;
	[tilespmem:$0x11400] =	vst v63  }
0x5c: {  	_ =	swait.ge [sflag:s7], $0x1C00  }
0x5d: {  	[sflag:s7] =	ssyncset.done $0x0  }
0x5e: {  	s17 =	sadd.s32 @!p0 $0x300, s0;
	s19 =	simm.s32 @!p0 $0xDC00;
	[sflag:s7] =	ssyncadd.s32 $0xFFFFE400  }
0x5f: {  	[tilespmem:s19], [sflag:$0x7] =	stream.indirect.gather @!p0 [hbm4b:s3+s15], $0x38, s17, s15, $0xb8;
	[tilespmem:$0x11400] =	vst v63  }
0x60: {  	_ =	swait.ge [sflag:s31], $0x1C00  }
0x61: {  	[sflag:s31] =	ssyncset.done $0x0  }
.Ltmp2:
0x62: {  	s13 =	sadd.s32 $0x1880, s13;
	[sflag:s31] =	ssyncadd.s32 $0xFFFFE400;
	(pc) =	sbr.rel @p0 .LBB2_4-.Ltmp2, $4  }
0x63: {  	[hbm4b:s13+s2] =	stream.linear.scatter [tilespmem:s22], [sflag:$0x9], $0x1C00, $0x38;
	[tilespmem:$0x11400] =	vst v63  }
0x64: {  	_ =	swait.ge [sflag:s7], $0x1C00  }
0x65: {  	[sflag:s7] =	ssyncset.done $0x0  }
0x66: {  	[sflag:s7] =	ssyncadd.s32 $0xFFFFE400  }
.Ltmp3:
0x67: {  	(pc) =	sbr.rel .LBB2_2-.Ltmp3, $3  }
0x68: {  	_ =	sdelay $0x1  }
0x69: {  	s13 =	sadd.s32 $0x380, s0;
	s11 =	sadd.s32 $0x1C00, s11;
	s0 =	sadd.s32 $0x400, s0  }
0x6a: {  	[tilespmem:s22], [sflag:$0x8] =	stream.indirect.gather [hbm4b:s3+s8], $0x38, s13, s8, $0xb8;
	[tilespmem:$0x11400] =	vst v63  }
.LBB2_5:
0x6b: {  	_ =	sfence.sel $0x180000  }
0x6c: {  	[bflag:$0x0] =	sbarrier.arrive $0xFFFF  }
0x6d: {  	_ =	strace $0x90000047  }
0x6e: {  	s0 =	stileid.u32;
	[bflag:$0x2] =	sbarrier.arrive $0xFFFF  }
0x6f: {  	p0 =	sne.s32 s0, $0x0;
	s0 =	rddreg [dreg:$0x3]  }
0x70: {  	s0 =	sadd.s32 @!p0 $0x100000, s0  }
0x71: {  	[sflag:s0] =	ssyncadd.tile.s32 @!p0 $0x1;
	_ =	shalt  }
.Lfunc_end2:
_tile_overlayer_lowered:
.L_overlay_start_2:
0x72: {  	(tag) =	ssettag $0x2  }
0x73: {  	s0 =	rddreg [dreg:$0x0];
	s2 =	stileid.u32  }
0x74: {  	s1 =	rddreg [dreg:$0x1];
	p0 =	sne.s32 s2, $0x0  }
0x75: {  	s3 =	rddreg [dreg:$0x2];
	[bflag:$0x3] =	sbarrier.arrive $0xFFFF;
	s2 =	simm.s32 @!p0 $0x1C09  }
0x76: {  	[timem:s3], [sflag:s2] =	dma.local @!p0 [hbm:s0], s1  }
0x77: {  	s0 =	simm.s32 @!p0 $0x9  }
0x78: {  	_ =	swait.ge @!p0 [sflag:s0], s1  }
0x79: {  	s1 =	ssub.s32 @!p0 $0x0, s1;
	[sflag:s0] =	ssyncset.done @!p0 $0x0  }
0x7a: {  	[sflag:s0] =	ssyncadd.s32 @!p0 s1  }
0x7b: {  	[bflag:$0x3] =	sbarrier.arrive $0xFFFF  }
0x7c: {  	_ =	shalt  }

// kernel: sparse-core-data-format-call.cloned.1.call-start
scs
called_computation_lowered:
.L_overlay_start_0:
0x0: {  	s2 =	sld [smem:$0x3FD9]  }
0x1: {  	s3 =	sld [smem:$0x3FFE];
	_ =	sdelay $0x1  }
0x2: {  	s1 =	srdreg.scid  }
0x3: {  	s0 =	sand.u32 $0x1, s1  }
0x4: {  	s18 =	sshll.u32 s0, $0xA;
	s2 =	sadd.s32 s3, s2  }
0x5: {  	s2 =	sadd.s32 s2, s18  }
0x6: {  	[smem:$0x3FC6] =	sst s2  }
0x7: {  	_ = 	snop  }
0x8: {  	s2 =	sld [smem:$0x3FD0];
	(tm) =	ssettm $0x1  }
0x9: {  	s19 =	sld [smem:$0x3FFB];
	_ =	sdelay $0x3  }
0xa: {  	_ =	strace s19  }
0xb: {  	s3 =	sld [smem:$0x3FFC];
	_ =	sdelay $0x3  }
0xc: {  	_ =	strace s3  }
0xd: {  	s3 =	sld [smem:$0x3FFD];
	_ =	sdelay $0x3  }
0xe: {  	_ =	strace s3  }
0xf: {  	_ =	strace $0x8FFFFFFF  }
0x10: {  	s20 =	sld [smem:$0x3FDB];
	_ =	sdelay $0x1  }
0x11: {  	s4 =	simm.s32 $_scs_section_size  }
0x12: {  	s5 =	simm.s32 $_size__tile_overlayer_lowered;
	s6 =	simm.s32 $_tile_overlayer_lowered  }
0x13: {  	s23 =	simm.s32 $0x1BFF;
	s22 =	sshll.u32 s6, $0x1;
	s3 =	sadd.s32 s4, s20  }
0x14: {  	s7 =	simm.s32 $0x0;
	s21 =	sshll.u32 s5, $0x1;
	s5 =	sadd.s32 s22, s3  }
0x15: {  	[timem:s7], [sflag:s23] =	dma.local [hbm:s5], s21  }
0x16: {  	_ =	swait.ge [sflag:s23], s21  }
0x17: {  	s4 =	ssub.s32 $0x0, s21;
	[sflag:s23] =	ssyncset.done $0x0  }
0x18: {  	[sflag:s23] =	ssyncadd.s32 s4;
	_ =	sdelay $0x1  }
0x19: {  	s24 =	simm.s32 $0x1B8B  }
0x1a: {  	_ =	swait.ge [sflag:s24], $0x1  }
0x1b: {  	[sflag:s24] =	ssyncset.done $0x0  }
0x1c: {  	s26 =	simm.s32 $0x1B8E;
	s25 =	sld [smem:$0x3FFE];
	[sflag:s24] =	ssyncadd.s32 $0xFFFFFFFF  }
0x1d: {  	s27 =	simm.s32 $execute0_lowered;
	[smem:$0x3FD2] =	sst s26  }
0x1e: {  	s5 =	sshll.u32 s27, $0x1;
	_ =	strace $0x80000049;
	[dreg:$0x1] =	wrdreg $0xFFFFFFFF  }
0x1f: {  	s28 =	simm.s32 $_size_execute0_lowered;
	s3 =	sadd.s32 s3, s5;
	[dreg:$0x0] =	wrdreg $0x0  }
0x20: {  	s5 =	sshll.u32 s28, $0x1;
	[dreg:$0x2] =	wrdreg s3  }
0x21: {  	[dreg:$0x3] =	wrdreg s5  }
0x22: {  	[dreg:$0x4] =	wrdreg $0xC0  }
0x23: {  	_ =	task [dreg:s7], $0x5FFFF  }
0x24: {  	[dreg:$0x1] =	wrdreg $0xFFFFFFFF  }
0x25: {  	[dreg:$0x0] =	wrdreg $0x60  }
0x26: {  	[dreg:$0x2] =	wrdreg s25  }
0x27: {  	[dreg:$0x3] =	wrdreg s2  }
0x28: {  	[dreg:$0x4] =	wrdreg $0x9  }
0x29: {  	_ =	task.clear_ibuf [dreg:s7], $0x5FFFF;
	_ =	strace $0x90000049  }
0x2a: {  	s29 =	simm.s32 $0x9;
	_ =	strace $0x8000004B  }
0x2b: {  	_ =	swait.ge [sflag:s29], $0x1  }
0x2c: {  	[sflag:s29] =	ssyncadd.s32 $0xFFFFFFFF  }
0x2d: {  	_ =	strace $0x9000004B  }
0x2e: {  	_ =	sfence  }
0x2f: {  	s30 =	sld [smem:$0x0];
	_ =	sdelay $0x2  }
0x30: {  	s31 =	sshll.u32 s1, $0xD;
	s1 =	sshrl.u32 s1, $0x2  }
0x31: {  	s3 =	sand.u32 $0x4000, s31;
	s1 =	sadd.s32 s1, s30  }
0x32: {  	s0 =	sor.u32 s3, s0;
	s1 =	sshll.u32 s1, $0x11  }
0x33: {  	s0 =	sor.u32 s1, s0  }
0x34: {  	s0 =	sadd.s32 $0x8F2B, s0  }
0x35: {  	[sflag:s0] =	ssyncadd.remote.s32 $0x1  }
0x36: {  	_ =	sfence.sel $0xFFFF  }
0x37: {  	[dreg:$0x0] =	wrdreg $0xFFFFFFFF;
	(pc) =	sbr.abs _section_cstart, $3  }
0x38: {  	[dreg:$0x1] =	wrdreg $0xFFFFFFFF  }
0x39: {  	_ =	task.clear_ibuf [dreg:s7], $0x2FFFF;
	_ =	strace $0x9FFFFFFF  }
0x3a: {  	(tm) =	ssettm $0x7FFFFFFF  }
0x3b: {  	_ =	shalt  }
tec
execute0_lowered:
.L_overlay_start_1:
0x0: {  	(tag) =	ssettag $0x1  }
0x1: {  	s0 =	srdreg.scid  }
0x2: {  	s5 =	rddreg [dreg:$0x0];
	s1 =	sshll.u32 s0, $0x4  }
0x3: {  	s2 =	rddreg [dreg:$0x1];
	s0 =	stileid.u32;
	s1 =	sand.u32 $0x10, s1  }
0x4: {  	s4 =	simm.s32 $0x1;
	s8 =	simm.s32 $0x2;
	s1 =	sor.u32 s0, s1  }
0x5: {  	s12 =	simm.s32 $0x0;
	s9 =	simm.s32 $0x0;
	s3 =	sshll.u32 s1, $0x7  }
0x6: {  	s11 =	simm.s32 $0x0;
	s5 =	sadd.s32 $0x800, s5;
	s6 =	ssub.s32 $0x68000, s3  }
.Ltmp0:
0x7: {  	s1 =	rddreg [dreg:$0x2];
	s7 =	sand.u32 $0xF80, s6;
	(pc) =	sbr.rel .LBB1_1-.Ltmp0, $4  }
0x8: {  	_ =	strace $0x8000004A;
	p0 =	sne.s32 s7, $0x0;
	s7 =	simm.s32 $0x1  }
0x9: {  	[sflag:s4] =	ssyncpa.u1 $0x0;
	s6 =	sshrl.u32 s6, $0xC;
	s7 =	simm.s32 @!p0 $0x0  }
0xa: {  	s10 =	smov.u32 s3;
	[sflag:s8] =	ssyncpa.u1 $0x0;
	s6 =	sadd.s32 s7, s6  }
0xb: {  	s8 =	simm.s32 $0x340000;
	p0 =	por $0x0, $0x0;
	s7 =	sadd.s32 $0x1, s6  }
.LBB1_4:
0xc: {  	s15 =	sshll.u32 s9, $0x3  }
0xd: {  	s16 =	sand.u32 $0x7F, s9;
	s17 =	sand.u32 $0xFFFFFC00, s15;
	s15 =	smulhi.u32 $0x4EC4EC4F, s15  }
0xe: {  	s16 =	sor.u32 s16, s17  }
0xf: {  	s17 =	smulhi.u32 $0x4EC4EC4F, s16;
	s15 =	sshrl.u32 s15, $0x11  }
0x10: {  	p1 =	sgt.s32 s9, $0x67F80;
	s19 =	smov.u32 s9;
	s18 =	smul.u32 $0x4925, s15  }
0x11: {  	s20 =	sshra.s32 s9, $0x1F;
	s19 =	simm.s32 @!p1 $0x67F80;
	s17 =	sshrl.u32 s17, $0x11  }
0x12: {  	s20 =	sand.u32 s20, s9;
	s17 =	smul.u32 $0x68000, s17;
	s18 =	sshrl.u32 s18, $0x14  }
0x13: {  	s27 =	ssub.s32 s19, s20;
	s18 =	smul.u32 $0x38, s18  }
0x14: {  	s28 =	sadd.s32 $0xFFF98080, s27  }
0x15: {  	s16 =	ssub.s32 s16, s17;
	s17 =	ssub.s32 $0x68000, s27;
	s15 =	ssub.s32 s15, s18  }
0x16: {  	p1 =	sgt.s32 s28, $0x7F;
	s17 =	smul.u32 $0xE0, s17;
	s15 =	sand.u32 $0xFFFF, s15  }
0x17: {  	[tilespmem:s14+$0x810 ss:$0x81] =	vst.msk $0xffff, v2;
	s29 =	sshrl.u32 s16, $0x3;
	s16 =	sand.u32 $0x7, s16;
	s15 =	smul.u32 $0xD000, s15  }
0x18: {  	[tilespmem:s14+$0x1020 ss:$0x81] =	vst.msk $0xffff, v0;
	s18 =	sadd.s32 s2, s29;
	s16 =	sshll.u32 s16, $0x12;
	s17 =	sshrl.u32 s17, $0x2  }
0x19: {  	[tilespmem:s14+$0x0 ss:$0x81] =	vst.msk $0xffff, v1;
	s31 =	sor.u32 $0x400, s16;
	s17 =	simm.s32 @p1 $0x0;
	s30 =	sadd.s32 s15, s18  }
0x1a: {  	[hbm4b:s30+s31] =	stream.strided.scatter [tilespmem:s13], [sflag:$0x2], s17, s8, s31, $0x20;
	[tilespmem:$0x8080] =	vst v63  }
.LBB1_5:
0x1b: {  	p1 =	slt.u32 s11, $0x2  }
0x1c: {  	p2 =	sgt.s32 @!p1 s12, $0x67F80  }
0x1d: {  	s13 =	smov.u32 s12;
	s14 =	sshra.s32 @!p1 s12, $0x1F;
	p2 =	por !p2, p1  }
0x1e: {  	s12 =	sand.u32 @!p1 s14, s12;
	s13 =	simm.s32 @p2 $0x67F80  }
0x1f: {  	s12 =	ssub.s32 @!p1 s13, s12  }
0x20: {  	s13 =	ssub.s32 @!p1 $0x68000, s12  }
0x21: {  	s12 =	sadd.s32 @!p1 $0xFFF98080, s12;
	s13 =	smul.u32 @!p1 $0xE0, s13  }
0x22: {  	p2 =	sgt.s32 @!p1 s12, $0x7F  }
0x23: {  	s14 =	sadd.s32 $0x1000, s10;
	p2 =	por !p2, p1;
	s12 =	sshrl.u32 @!p1 s13, $0x2  }
0x24: {  	s12 =	simm.s32 @!p2 $0x0;
	p2 =	sgt.s32 s14, $0x67FFF  }
0x25: {  	s14 =	smov.u32 @p2 s3;
	p2 =	sne.s32 s11, s7  }
.Ltmp1:
0x26: {  	_ = 	snop;
	(pc) =	sbr.rel @!p2 .LBB1_6-.Ltmp1, $4  }
0x27: {  	s13 =	simm.s32 @!p1 $0x2  }
0x28: {  	p0 =	por !p0, !p0;
	_ =	swait.ge @!p1 [sflag:s13], s12;
	s15 =	ssub.s32 @!p1 $0x0, s12  }
0x29: {  	s12 =	smov.u32 s9;
	s11 =	sadd.s32 $0x1, s11;
	[sflag:s13] =	ssyncset.done @!p1 $0x0  }
0x2a: {  	s9 =	smov.u32 s10;
	s10 =	smov.u32 s14;
	[sflag:s13] =	ssyncadd.s32 @!p1 s15  }
.LBB1_1:
0x2b: {  	p1 =	sge.u32 s11, s6  }
0x2c: {  	s13 =	sand.u32 @!p1 $0x1FFFFFF, s10  }
0x2d: {  	s14 =	smulhi.u32 @!p1 $0x2762763, s13;
	_ =	sdelay $0x1  }
0x2e: {  	s14 =	sshrl.u32 @!p1 s14, $0xC  }
0x2f: {  	s14 =	smul.u32 @!p1 $0x68000, s14;
	_ =	sdelay $0x1  }
0x30: {  	s31 =	sadd.s32 $0xFFFFFFFF, s11;
	s15 =	sxor.u32 @!p1 $0xFFFFFFFF, s11;
	s13 =	ssub.s32 @!p1 s13, s14  }
0x31: {  	s16 =	simm.s32 @!p1 $0x80;
	s15 =	sshll.u32 @!p1 s15, $0xD;
	s13 =	sshll.u32 @!p1 s13, $0x4  }
0x32: {  	s14 =	sand.u32 @!p1 $0x2000, s15;
	s15 =	simm.s32 @!p1 $0x40;
	s13 =	sadd.s32 @!p1 s5, s13  }
0x33: {  	[tilespmem:s14], [sflag:$0x1] =	stream.strided.gather @!p1 [hbm4b:s13+s15], $0x2000, s16, s15, $0x38;
	[tilespmem:$0x8080] =	vst v63  }
0x34: {  	p1 =	sge.u32 s31, s6  }
.Ltmp2:
0x35: {  	_ = 	snop;
	(pc) =	sbr.rel @p1 .LBB1_5-.Ltmp2, $1  }
0x36: {  	_ =	sdelay $0x3  }
0x37: {  	s13 =	simm.s32 $0x1  }
0x38: {  	_ =	swait.ge [sflag:s4], $0x2000;
	s13 =	simm.s32 @!p0 $0x0  }
0x39: {  	[sflag:s4] =	ssyncset.done $0x0;
	s14 =	sshll.u32 s13, $0xD  }
0x3a: {  	[sflag:s4] =	ssyncadd.s32 $0xFFFFE000;
	s17 =	sor.u32 $0x20, s14  }
0x3b: {  	s13 =	smul.u32 $0x8100, s13;
	v3 =	vld [tilespmem:s17+$0x10]  }
0x3c: {  	s30 =	sand.u32 $0x1, s11;
	v2 =	vld [tilespmem:s17+$0xFFFFFFF0]  }
0x3d: {  	s14 =	smul.u32 $0x8100, s30;
	s13 =	sshrl.u32 s13, $0x2;
	v0 =	vld [tilespmem:s17+$0x0]  }
0x3e: {  	v1 =	vld [tilespmem:s17+$0xFFFFFFE0];
	s15 =	sor.u32 $0x4000, s13  }
0x3f: {  	s31 =	sshrl.u32 s14, $0x2;
	s14 =	sadd.s32 $0x0, s15  }
0x40: {  	s16 =	simm.s32 $0x4;
	s17 =	sadd.s32 $0x40, s17;
	s13 =	sor.u32 $0x4000, s31;
	[tilespmem:s14+$0x1830 ss:$0x81] =	vst.msk $0xffff, v3  }
.LBB1_3:
0x41: {  	v3 =	vld [tilespmem:s17+$0x10];
	p1 =	sne.s32 s16, $0x1FC;
	[tilespmem:s14+$0x810 ss:$0x81] =	vst.msk $0xffff, v2;
	s18 =	smov.u32 s16;
	s16 =	sadd.s32 $0x4, s16  }
.Ltmp3:
0x42: {  	v2 =	vld [tilespmem:s17+$0xFFFFFFF0];
	[tilespmem:s14+$0x1020 ss:$0x81] =	vst.msk $0xffff, v0;
	(pc) =	sbr.rel @p1 .LBB1_3-.Ltmp3, $4  }
0x43: {  	v0 =	vld [tilespmem:s17+$0x0];
	[tilespmem:s14+$0x0 ss:$0x81] =	vst.msk $0xffff, v1  }
0x44: {  	s14 =	sshra.s32 s18, $0x2;
	v1 =	vld [tilespmem:s17+$0xFFFFFFE0]  }
0x45: {  	s14 =	sadd.s32 s14, s15  }
0x46: {  	s17 =	sadd.s32 $0x40, s17;
	[tilespmem:s14+$0x1830 ss:$0x81] =	vst.msk $0xffff, v3  }
.Ltmp4:
0x47: {  	_ = 	snop;
	(pc) =	sbr.rel .LBB1_4-.Ltmp4, $1  }
0x48: {  	_ =	sdelay $0x3  }
.LBB1_6:
0x49: {  	_ =	sfence.sel $0x180000  }
0x4a: {  	s2 =	simm.s32 $0x1;
	[bflag:$0x0] =	sbarrier.arrive $0xFFFF  }
0x4b: {  	s31 =	simm.s32 $0x2;
	[sflag:s2] =	ssyncpa.u1 $0x1  }
0x4c: {  	[sflag:s31] =	ssyncpa.u1 $0x1  }
0x4d: {  	p0 =	sne.s32 s0, $0x0;
	_ =	strace $0x9000004A  }
0x4e: {  	s0 =	sadd.s32 @!p0 $0x100000, s1;
	[bflag:$0x2] =	sbarrier.arrive $0xFFFF  }
0x4f: {  	[sflag:s0] =	ssyncadd.tile.s32 @!p0 $0x1;
	_ =	shalt  }
.Lfunc_end1:
_tile_overlayer_lowered:
.L_overlay_start_2:
0x50: {  	(tag) =	ssettag $0x2  }
0x51: {  	s0 =	rddreg [dreg:$0x0];
	s2 =	stileid.u32  }
0x52: {  	s1 =	rddreg [dreg:$0x1];
	p0 =	sne.s32 s2, $0x0  }
0x53: {  	s3 =	rddreg [dreg:$0x2];
	[bflag:$0x3] =	sbarrier.arrive $0xFFFF;
	s2 =	simm.s32 @!p0 $0x1C01  }
0x54: {  	[timem:s3], [sflag:s2] =	dma.local @!p0 [hbm:s0], s1  }
0x55: {  	s0 =	simm.s32 @!p0 $0x1  }
0x56: {  	_ =	swait.ge @!p0 [sflag:s0], s1  }
0x57: {  	s1 =	ssub.s32 @!p0 $0x0, s1;
	[sflag:s0] =	ssyncset.done @!p0 $0x0  }
0x58: {  	[sflag:s0] =	ssyncadd.s32 @!p0 s1  }
0x59: {  	[bflag:$0x3] =	sbarrier.arrive $0xFFFF  }
0x5a: {  	_ =	shalt  }

</sc_bundles>
